<compile_context>
chip_gen: v7x
topology: tpu7x:2x2x1
jax: 0.10.2.dev20260603
libtpu: 0.0.44.dev20260713+nightly
codegen_flags: <defaults>
</compile_context>

<pallas_src>
import functools

import jax
import jax.numpy as jnp
from jax import lax
from jax.experimental import pallas as pl
from jax.experimental.pallas import tpu as pltpu
from jax.experimental.pallas import tpu_sc as plsc

BANK_SIZE = 500000
DIM = 256
NEG_SIZE = 2048
BATCH = 256
TEMP = 0.07

K = NEG_SIZE + 1
CK = 96
NCHUNK = 22
K_PAD = CK * NCHUNK
NC = 2
NS = 16
NW = NC * NS
BPW = BATCH // NW
NJ = DIM // 16


def _tree_sum(vals):
    vals = list(vals)
    while len(vals) > 1:
        nxt = [vals[i] + vals[i + 1] for i in range(0, len(vals) - 1, 2)]
        if len(vals) % 2:
            nxt.append(vals[-1])
        vals = nxt
    return vals[0]


def _sc_body(x_hbm, idx_hbm, mem_hbm, out_hbm,
             xv, idxv, rows0, rows1, part, stage, sem0, sem1, semo0, semo1):
    cid = lax.axis_index("c")
    sid = lax.axis_index("s")
    wid = sid * NC + cid
    b0 = wid * BPW
    lane = lax.iota(jnp.int32, 16)
    npair = NCHUNK // 2

    pltpu.sync_copy(x_hbm.at[pl.ds(b0, BPW)], xv)
    pltpu.sync_copy(idx_hbm.at[pl.ds(b0, BPW)], idxv)

    pltpu.async_copy(mem_hbm.at[idxv.at[0, 0]], rows0, sem0)

    def per_b(lb, _):
        row = b0 + lb
        par = lax.rem(lb, 2)
        xs = [xv[lb, pl.ds(16 * j, 16)] for j in range(NJ)]

        @pl.when((lb >= 2) & (par == 0))
        def _():
            pltpu.make_async_copy(
                stage.at[0], out_hbm.at[row], semo0).wait()

        @pl.when((lb >= 2) & (par == 1))
        def _():
            pltpu.make_async_copy(
                stage.at[1], out_hbm.at[row], semo1).wait()

        def compute(rows, c):
            def group_body(g, _):
                r0 = g * 16

                @plsc.parallel_loop(0, 16, unroll=4)
                def row_body(r):
                    acc = _tree_sum(
                        rows[r0 + r, pl.ds(16 * j, 16)] * xs[j]
                        for j in range(NJ))
                    plsc.store_scatter(part, [lane + 17 * r], acc)

                dots = _tree_sum(
                    plsc.load_gather(part, [lane * 17 + cc])
                    for cc in range(16))
                stage[par, pl.ds(c * CK + r0, 16)] = dots
                return 0

            lax.fori_loop(0, CK // 16, group_body, 0)

        def pair_body(p, _):
            c0 = 2 * p
            pltpu.async_copy(mem_hbm.at[idxv.at[lb, c0 + 1]], rows1, sem1)
            pltpu.make_async_copy(
                mem_hbm.at[idxv.at[lb, c0]], rows0, sem0).wait()
            compute(rows0, c0)

            @pl.when(p < npair - 1)
            def _():
                pltpu.async_copy(mem_hbm.at[idxv.at[lb, c0 + 2]], rows0,
                                 sem0)

            @pl.when((p == npair - 1) & (lb < BPW - 1))
            def _():
                pltpu.async_copy(mem_hbm.at[idxv.at[lb + 1, 0]], rows0,
                                 sem0)

            pltpu.make_async_copy(
                mem_hbm.at[idxv.at[lb, c0 + 1]], rows1, sem1).wait()
            compute(rows1, c0 + 1)
            return 0

        lax.fori_loop(0, npair, pair_body, 0)

        @pl.when(par == 0)
        def _():
            pltpu.async_copy(
                stage.at[0], out_hbm.at[row], semo0)

        @pl.when(par == 1)
        def _():
            pltpu.async_copy(
                stage.at[1], out_hbm.at[row], semo1)

        return 0

    lax.fori_loop(0, BPW, per_b, 0)

    pltpu.make_async_copy(
        stage.at[0], out_hbm.at[b0 + BPW - 2], semo0).wait()
    pltpu.make_async_copy(
        stage.at[1], out_hbm.at[b0 + BPW - 1],
        semo1).wait()


_sc_dots = functools.partial(
    pl.kernel,
    out_type=jax.ShapeDtypeStruct((BATCH, K_PAD), jnp.float32),
    mesh=plsc.VectorSubcoreMesh(
        core_axis_name="c", subcore_axis_name="s", num_cores=NC,
        num_subcores=NS),
    scratch_types=[
        pltpu.VMEM((BPW, DIM), jnp.float32),
        pltpu.VMEM((BPW, NCHUNK, CK), jnp.int32),
        pltpu.VMEM((CK, DIM), jnp.float32),
        pltpu.VMEM((CK, DIM), jnp.float32),
        pltpu.VMEM((2 * 17 * 16,), jnp.float32),
        pltpu.VMEM((2, K_PAD), jnp.float32),
        pltpu.SemaphoreType.DMA,
        pltpu.SemaphoreType.DMA,
        pltpu.SemaphoreType.DMA,
        pltpu.SemaphoreType.DMA,
    ],
    compiler_params=pltpu.CompilerParams(needs_layout_passes=False),
)(_sc_body)


def _finish_body(x_ref, raw_ref, out_ref):
    x = x_ref[...]
    raw = raw_ref[...]
    nrm = jnp.sqrt(jnp.sum(x * x, axis=1, keepdims=True))
    inv = 1.0 / (jnp.maximum(nrm, 1e-12) * TEMP)
    s = raw * inv
    col = lax.broadcasted_iota(jnp.int32, s.shape, 1)
    valid = col < K
    sm = jnp.where(valid, s, -jnp.inf)
    m = jnp.max(sm, axis=1, keepdims=True)
    e = jnp.where(valid, jnp.exp(sm - m), 0.0)
    lse = jnp.log(jnp.sum(e, axis=1, keepdims=True)) + m
    out_ref[0, 0] = jnp.mean(lse - s[:, 0:1])


_finish = pl.pallas_call(
    _finish_body,
    out_shape=jax.ShapeDtypeStruct((1, 1), jnp.float32),
    out_specs=pl.BlockSpec(memory_space=pltpu.SMEM),
)


def kernel(x, x_ind, idx, memory):
    idx_full = jnp.concatenate([x_ind[:, None], idx[:, 1:]], axis=1)
    npad = K_PAD - K
    pad = jnp.arange(BATCH * npad, dtype=jnp.int32).reshape(BATCH, npad)
    idx_p = jnp.concatenate([idx_full, pad], axis=1)
    idx_p = idx_p.reshape(BATCH, NCHUNK, CK)
    raw = _sc_dots(x, idx_p, memory)
    return _finish(x, raw)[0, 0]

# --- scband reference (transcript-rebuilt; emitter-appended) ---
"""Pipeline reference for scband-memory-bank-14405320311082 (READ-ONLY COPY).

The authoritative reference and input builder live on the scoring server;
editing this copy changes nothing except your own understanding.
"""

import jax, jax.numpy as jnp
import numpy as np

BANK_SIZE = 500000
DIM = 256
NEG_SIZE = 2048
BATCH = 256
TEMP = 0.07
MMT = 0.999


def setup_inputs(seed: int = 0) -> dict:
    key = jax.random.key(seed)
    k1, k2, k3, k4 = jax.random.split(key, 4)
    x = jax.random.normal(k1, (BATCH, DIM), dtype=jnp.float32)
    x_ind = jax.random.randint(k2, (BATCH,), 0, BANK_SIZE, dtype=jnp.int32)
    # internal negative-sample indices (torch.randint inside forward); materialized here for determinism
    idx = jax.random.randint(k3, (BATCH, NEG_SIZE + 1), 0, BANK_SIZE, dtype=jnp.int32)
    stdv = 1.0 / np.sqrt(DIM / 3.0)
    memory = jax.random.uniform(k4, (BANK_SIZE, DIM), minval=-stdv, maxval=stdv, dtype=jnp.float32)
    return {"x": x, "x_ind": x_ind, "idx": idx, "memory": memory}


def reference(x, x_ind, idx, memory):
    # backbone = Identity, mlp = None: x is already the feature embedding [B, dim]
    norm = jnp.sqrt(jnp.sum(x * x, axis=1, keepdims=True))
    xn = x / jnp.maximum(norm, 1e-12)  # F.normalize(x, p=2, dim=1)
    # first column of idx is the positive (the instance's own bank slot)
    idx = idx.at[:, 0].set(x_ind)
    # gather B*(neg_size+1) rows from the memory bank (detached)
    weight = jnp.take(memory, idx.reshape(-1), axis=0).reshape(BATCH, NEG_SIZE + 1, DIM)
    out = jnp.einsum('bkc,bc->bk', weight, xn)
    out = out / TEMP
    # cross_entropy with gt = 0 for every row
    lse = jax.scipy.special.logsumexp(out, axis=1)
    loss = jnp.mean(lse - out[:, 0])
    return loss

if __name__ == "__main__":
    import jax
    _d = setup_inputs()
    print(jax.jit(kernel)(*tuple(_d.values())))

</pallas_src>

<mosaic_0001>
#map = affine_map<(d0, d1) -> (0, 0)>
#map1 = affine_map<(d0, d1) -> (0, 0, 0)>
module attributes {stable_mosaic.version = 14 : i64} {
  func.func @_sc_body(%arg0: i32, %arg1: i32, %arg2: memref<256x256xf32, #tpu.memory_space<hbm>>, %arg3: memref<256x22x96xi32, #tpu.memory_space<hbm>>, %arg4: memref<500000x256xf32, #tpu.memory_space<hbm>>, %arg5: memref<256x2112xf32, #tpu.memory_space<hbm>>, %arg6: memref<8x256xf32, #tpu.memory_space<vmem>>, %arg7: memref<8x22x96xi32, #tpu.memory_space<vmem>>, %arg8: memref<96x256xf32, #tpu.memory_space<vmem>>, %arg9: memref<96x256xf32, #tpu.memory_space<vmem>>, %arg10: memref<544xf32, #tpu.memory_space<vmem>>, %arg11: memref<2x2112xf32, #tpu.memory_space<vmem>>, %arg12: memref<!tpu.dma_semaphore, #tpu.memory_space<semaphore_mem>>, %arg13: memref<!tpu.dma_semaphore, #tpu.memory_space<semaphore_mem>>, %arg14: memref<!tpu.dma_semaphore, #tpu.memory_space<semaphore_mem>>, %arg15: memref<!tpu.dma_semaphore, #tpu.memory_space<semaphore_mem>>) attributes {dimension_semantics = [#tpu.dimension_semantics<core_parallel>, #tpu.dimension_semantics<subcore_parallel>], iteration_bounds = array<i64: 2, 16>, scalar_prefetch = 0 : i64, scratch_operands = 10 : i64, tpu.core_type = #tpu.core_type<sc_vector_subcore>, window_params = [{transform_indices = #map}, {transform_indices = #map1}, {transform_indices = #map}, {transform_indices = #map}]} {
    %mul3A = arith.constant 2 : i32
    %mul3A_0 = arith.muli %arg1, %mul3A : i32
    %add3A = arith.addi %mul3A_0, %arg0 : i32
    %mul3A_1 = arith.constant 8 : i32
    %mul3A_2 = arith.muli %add3A, %mul3A_1 : i32
    %iota3A = tpu.iota {dimensions = array<i32: 0>} : vector<16xi32>
    "tpu.region"() ({
      %run_scoped3A = tpu.sem_alloc : memref<!tpu.dma_semaphore, #tpu.memory_space<semaphore_mem>>
      %dma_start3A_48 = arith.constant 0 : i32
      %dma_start3A_49 = tpu.memref_slice %arg2[%mul3A_2, %dma_start3A_48] : memref<256x256xf32, #tpu.memory_space<hbm>> -> memref<8x256xf32, #tpu.memory_space<hbm>>
      %dma_start3A_50 = arith.constant 0 : i32
      %dma_start3A_51 = tpu.memref_slice %arg2[%mul3A_2, %dma_start3A_50] : memref<256x256xf32, #tpu.memory_space<hbm>> -> memref<8x256xf32, #tpu.memory_space<hbm>>
      tpu.enqueue_dma source(%dma_start3A_51 : memref<8x256xf32, #tpu.memory_space<hbm>>) target(%arg6 : memref<8x256xf32, #tpu.memory_space<vmem>>) target_semaphore(%run_scoped3A : memref<!tpu.dma_semaphore, #tpu.memory_space<semaphore_mem>>)
      %dma_wait3A_52 = arith.constant 0 : i32
      %dma_wait3A_53 = tpu.memref_slice %arg2[%mul3A_2, %dma_wait3A_52] : memref<256x256xf32, #tpu.memory_space<hbm>> -> memref<8x256xf32, #tpu.memory_space<hbm>>
      %dma_wait3A_54 = arith.constant 0 : i32
      %dma_wait3A_55 = tpu.memref_slice %arg2[%mul3A_2, %dma_wait3A_54] : memref<256x256xf32, #tpu.memory_space<hbm>> -> memref<8x256xf32, #tpu.memory_space<hbm>>
      tpu.wait_dma2 semaphore(%run_scoped3A : memref<!tpu.dma_semaphore, #tpu.memory_space<semaphore_mem>>) src(%dma_wait3A_55 : memref<8x256xf32, #tpu.memory_space<hbm>>) dst(%arg6 : memref<8x256xf32, #tpu.memory_space<vmem>>)
      tpu.yield
    }) : () -> ()
    "tpu.region"() ({
      %run_scoped3A = tpu.sem_alloc : memref<!tpu.dma_semaphore, #tpu.memory_space<semaphore_mem>>
      %dma_start3A_48 = arith.constant 0 : i32
      %dma_start3A_49 = arith.constant 0 : i32
      %dma_start3A_50 = tpu.memref_slice %arg3[%mul3A_2, %dma_start3A_48, %dma_start3A_49] : memref<256x22x96xi32, #tpu.memory_space<hbm>> -> memref<8x22x96xi32, #tpu.memory_space<hbm>>
      %dma_start3A_51 = arith.constant 0 : i32
      %dma_start3A_52 = arith.constant 0 : i32
      %dma_start3A_53 = tpu.memref_slice %arg3[%mul3A_2, %dma_start3A_51, %dma_start3A_52] : memref<256x22x96xi32, #tpu.memory_space<hbm>> -> memref<8x22x96xi32, #tpu.memory_space<hbm>>
      tpu.enqueue_dma source(%dma_start3A_53 : memref<8x22x96xi32, #tpu.memory_space<hbm>>) target(%arg7 : memref<8x22x96xi32, #tpu.memory_space<vmem>>) target_semaphore(%run_scoped3A : memref<!tpu.dma_semaphore, #tpu.memory_space<semaphore_mem>>)
      %dma_wait3A_54 = arith.constant 0 : i32
      %dma_wait3A_55 = arith.constant 0 : i32
      %dma_wait3A_56 = tpu.memref_slice %arg3[%mul3A_2, %dma_wait3A_54, %dma_wait3A_55] : memref<256x22x96xi32, #tpu.memory_space<hbm>> -> memref<8x22x96xi32, #tpu.memory_space<hbm>>
      %dma_wait3A_57 = arith.constant 0 : i32
      %dma_wait3A_58 = arith.constant 0 : i32
      %dma_wait3A_59 = tpu.memref_slice %arg3[%mul3A_2, %dma_wait3A_57, %dma_wait3A_58] : memref<256x22x96xi32, #tpu.memory_space<hbm>> -> memref<8x22x96xi32, #tpu.memory_space<hbm>>
      tpu.wait_dma2 semaphore(%run_scoped3A : memref<!tpu.dma_semaphore, #tpu.memory_space<semaphore_mem>>) src(%dma_wait3A_59 : memref<8x22x96xi32, #tpu.memory_space<hbm>>) dst(%arg7 : memref<8x22x96xi32, #tpu.memory_space<vmem>>)
      tpu.yield
    }) : () -> ()
    %dma_start3A = arith.constant 0 : i32
    %dma_start3A_3 = arith.constant 0 : i32
    %dma_start3A_4 = arith.constant 0 : i32
    %dma_start3A_5 = tpu.memref_slice %arg7[%dma_start3A, %dma_start3A_3, %dma_start3A_4] : memref<8x22x96xi32, #tpu.memory_space<vmem>> -> memref<1x1x96xi32, #tpu.memory_space<vmem>>
    %dma_start3A_6 = tpu.memref_squeeze %dma_start3A_5 : memref<1x1x96xi32, #tpu.memory_space<vmem>> -> memref<96xi32, #tpu.memory_space<vmem>>
    %dma_start3A_7 = arith.constant 0 : i32
    %dma_start3A_8 = arith.constant 0 : i32
    %dma_start3A_9 = tpu.memref_slice %arg4[%dma_start3A_7, %dma_start3A_8] : memref<500000x256xf32, #tpu.memory_space<hbm>> -> memref<500000x256xf32, #tpu.memory_space<hbm>>
    tpu.enqueue_indirect_dma source(%dma_start3A_9 : memref<500000x256xf32, #tpu.memory_space<hbm>>) target(%arg8 : memref<96x256xf32, #tpu.memory_space<vmem>>) offsets(%dma_start3A_6 : memref<96xi32, #tpu.memory_space<vmem>>) semaphore(%arg12 : memref<!tpu.dma_semaphore, #tpu.memory_space<semaphore_mem>>)
    %scan3A = arith.constant 0 : i32
    %scan3A_10 = arith.constant 0 : i32
    %scan3A_11 = arith.constant 8 : i32
    %scan3A_12 = arith.addi %scan3A_10, %scan3A_11 : i32
    %scan3A_13 = arith.constant 1 : i32
    %scan3A_14 = scf.for %scan3A_48 = %scan3A_10 to %scan3A_12 step %scan3A_13 iter_args(%scan3A_49 = %scan3A) -> (i32)  : i32 {
      %add3A_50 = arith.addi %mul3A_2, %scan3A_48 : i32
      %rem3A = arith.constant 2 : i32
      %rem3A_51 = arith.remsi %scan3A_48, %rem3A : i32
      %get3A = arith.index_cast %scan3A_48 : i32 to index
      %get3A_52 = arith.constant 0 : index
      %get3A_53 = tpu.vector_load %arg6[%get3A, %get3A_52] {strides = array<i32>} : memref<8x256xf32, #tpu.memory_space<vmem>>, vector<16xf32>,
      %get3A_54 = arith.index_cast %scan3A_48 : i32 to index
      %get3A_55 = arith.constant 16 : index
      %get3A_56 = tpu.vector_load %arg6[%get3A_54, %get3A_55] {strides = array<i32>} : memref<8x256xf32, #tpu.memory_space<vmem>>, vector<16xf32>,
      %get3A_57 = arith.index_cast %scan3A_48 : i32 to index
      %get3A_58 = arith.constant 32 : index
      %get3A_59 = tpu.vector_load %arg6[%get3A_57, %get3A_58] {strides = array<i32>} : memref<8x256xf32, #tpu.memory_space<vmem>>, vector<16xf32>,
      %get3A_60 = arith.index_cast %scan3A_48 : i32 to index
      %get3A_61 = arith.constant 48 : index
      %get3A_62 = tpu.vector_load %arg6[%get3A_60, %get3A_61] {strides = array<i32>} : memref<8x256xf32, #tpu.memory_space<vmem>>, vector<16xf32>,
      %get3A_63 = arith.index_cast %scan3A_48 : i32 to index
      %get3A_64 = arith.constant 64 : index
      %get3A_65 = tpu.vector_load %arg6[%get3A_63, %get3A_64] {strides = array<i32>} : memref<8x256xf32, #tpu.memory_space<vmem>>, vector<16xf32>,
      %get3A_66 = arith.index_cast %scan3A_48 : i32 to index
      %get3A_67 = arith.constant 80 : index
      %get3A_68 = tpu.vector_load %arg6[%get3A_66, %get3A_67] {strides = array<i32>} : memref<8x256xf32, #tpu.memory_space<vmem>>, vector<16xf32>,
      %get3A_69 = arith.index_cast %scan3A_48 : i32 to index
      %get3A_70 = arith.constant 96 : index
      %get3A_71 = tpu.vector_load %arg6[%get3A_69, %get3A_70] {strides = array<i32>} : memref<8x256xf32, #tpu.memory_space<vmem>>, vector<16xf32>,
      %get3A_72 = arith.index_cast %scan3A_48 : i32 to index
      %get3A_73 = arith.constant 112 : index
      %get3A_74 = tpu.vector_load %arg6[%get3A_72, %get3A_73] {strides = array<i32>} : memref<8x256xf32, #tpu.memory_space<vmem>>, vector<16xf32>,
      %get3A_75 = arith.index_cast %scan3A_48 : i32 to index
      %get3A_76 = arith.constant 128 : index
      %get3A_77 = tpu.vector_load %arg6[%get3A_75, %get3A_76] {strides = array<i32>} : memref<8x256xf32, #tpu.memory_space<vmem>>, vector<16xf32>,
      %get3A_78 = arith.index_cast %scan3A_48 : i32 to index
      %get3A_79 = arith.constant 144 : index
      %get3A_80 = tpu.vector_load %arg6[%get3A_78, %get3A_79] {strides = array<i32>} : memref<8x256xf32, #tpu.memory_space<vmem>>, vector<16xf32>,
      %get3A_81 = arith.index_cast %scan3A_48 : i32 to index
      %get3A_82 = arith.constant 160 : index
      %get3A_83 = tpu.vector_load %arg6[%get3A_81, %get3A_82] {strides = array<i32>} : memref<8x256xf32, #tpu.memory_space<vmem>>, vector<16xf32>,
      %get3A_84 = arith.index_cast %scan3A_48 : i32 to index
      %get3A_85 = arith.constant 176 : index
      %get3A_86 = tpu.vector_load %arg6[%get3A_84, %get3A_85] {strides = array<i32>} : memref<8x256xf32, #tpu.memory_space<vmem>>, vector<16xf32>,
      %get3A_87 = arith.index_cast %scan3A_48 : i32 to index
      %get3A_88 = arith.constant 192 : index
      %get3A_89 = tpu.vector_load %arg6[%get3A_87, %get3A_88] {strides = array<i32>} : memref<8x256xf32, #tpu.memory_space<vmem>>, vector<16xf32>,
      %get3A_90 = arith.index_cast %scan3A_48 : i32 to index
      %get3A_91 = arith.constant 208 : index
      %get3A_92 = tpu.vector_load %arg6[%get3A_90, %get3A_91] {strides = array<i32>} : memref<8x256xf32, #tpu.memory_space<vmem>>, vector<16xf32>,
      %get3A_93 = arith.index_cast %scan3A_48 : i32 to index
      %get3A_94 = arith.constant 224 : index
      %get3A_95 = tpu.vector_load %arg6[%get3A_93, %get3A_94] {strides = array<i32>} : memref<8x256xf32, #tpu.memory_space<vmem>>, vector<16xf32>,
      %get3A_96 = arith.index_cast %scan3A_48 : i32 to index
      %get3A_97 = arith.constant 240 : index
      %get3A_98 = tpu.vector_load %arg6[%get3A_96, %get3A_97] {strides = array<i32>} : memref<8x256xf32, #tpu.memory_space<vmem>>, vector<16xf32>,
      %ge3A = arith.constant 2 : i32
      %ge3A_99 = arith.cmpi sge, %scan3A_48, %ge3A : i32
      %eq3A = arith.constant 0 : i32
      %eq3A_100 = arith.cmpi eq, %rem3A_51, %eq3A : i32
      %and3A = arith.andi %ge3A_99, %eq3A_100 : i1
      %convert_element_type3A = arith.extui %and3A : i1 to i32
      %cond3A = arith.constant 0 : i32
      %cond3A_101 = arith.cmpi ne, %convert_element_type3A, %cond3A : i32
      scf.if %cond3A_101 {
        %dma_wait3A_128 = arith.constant 0 : i32
        %dma_wait3A_129 = arith.constant 0 : i32
        %dma_wait3A_130 = tpu.memref_slice %arg11[%dma_wait3A_128, %dma_wait3A_129] : memref<2x2112xf32, #tpu.memory_space<vmem>> -> memref<1x2112xf32, #tpu.memory_space<vmem>>
        %dma_wait3A_131 = tpu.memref_squeeze %dma_wait3A_130 : memref<1x2112xf32, #tpu.memory_space<vmem>> -> memref<2112xf32, #tpu.memory_space<vmem>>
        %dma_wait3A_132 = arith.constant 0 : i32
        %dma_wait3A_133 = tpu.memref_slice %arg5[%add3A_50, %dma_wait3A_132] : memref<256x2112xf32, #tpu.memory_space<hbm>> -> memref<1x2112xf32, #tpu.memory_space<hbm>>
        %dma_wait3A_134 = tpu.memref_squeeze %dma_wait3A_133 : memref<1x2112xf32, #tpu.memory_space<hbm>> -> memref<2112xf32, #tpu.memory_space<hbm>>
        %dma_wait3A_135 = arith.constant 0 : i32
        %dma_wait3A_136 = tpu.memref_slice %arg5[%add3A_50, %dma_wait3A_135] : memref<256x2112xf32, #tpu.memory_space<hbm>> -> memref<1x2112xf32, #tpu.memory_space<hbm>>
        %dma_wait3A_137 = tpu.memref_squeeze %dma_wait3A_136 : memref<1x2112xf32, #tpu.memory_space<hbm>> -> memref<2112xf32, #tpu.memory_space<hbm>>
        %dma_wait3A_138 = arith.constant 0 : i32
        %dma_wait3A_139 = tpu.memref_slice %arg11[%dma_wait3A_128, %dma_wait3A_138] : memref<2x2112xf32, #tpu.memory_space<vmem>> -> memref<1x2112xf32, #tpu.memory_space<vmem>>
        %dma_wait3A_140 = tpu.memref_squeeze %dma_wait3A_139 : memref<1x2112xf32, #tpu.memory_space<vmem>> -> memref<2112xf32, #tpu.memory_space<vmem>>
        tpu.wait_dma2 semaphore(%arg14 : memref<!tpu.dma_semaphore, #tpu.memory_space<semaphore_mem>>) src(%dma_wait3A_140 : memref<2112xf32, #tpu.memory_space<vmem>>) dst(%dma_wait3A_137 : memref<2112xf32, #tpu.memory_space<hbm>>)
      } else {
      }
      %ge3A_102 = arith.constant 2 : i32
      %ge3A_103 = arith.cmpi sge, %scan3A_48, %ge3A_102 : i32
      %eq3A_104 = arith.constant 1 : i32
      %eq3A_105 = arith.cmpi eq, %rem3A_51, %eq3A_104 : i32
      %and3A_106 = arith.andi %ge3A_103, %eq3A_105 : i1
      %convert_element_type3A_107 = arith.extui %and3A_106 : i1 to i32
      %cond3A_108 = arith.constant 0 : i32
      %cond3A_109 = arith.cmpi ne, %convert_element_type3A_107, %cond3A_108 : i32
      scf.if %cond3A_109 {
        %dma_wait3A_128 = arith.constant 1 : i32
        %dma_wait3A_129 = arith.constant 0 : i32
        %dma_wait3A_130 = tpu.memref_slice %arg11[%dma_wait3A_128, %dma_wait3A_129] : memref<2x2112xf32, #tpu.memory_space<vmem>> -> memref<1x2112xf32, #tpu.memory_space<vmem>>
        %dma_wait3A_131 = tpu.memref_squeeze %dma_wait3A_130 : memref<1x2112xf32, #tpu.memory_space<vmem>> -> memref<2112xf32, #tpu.memory_space<vmem>>
        %dma_wait3A_132 = arith.constant 0 : i32
        %dma_wait3A_133 = tpu.memref_slice %arg5[%add3A_50, %dma_wait3A_132] : memref<256x2112xf32, #tpu.memory_space<hbm>> -> memref<1x2112xf32, #tpu.memory_space<hbm>>
        %dma_wait3A_134 = tpu.memref_squeeze %dma_wait3A_133 : memref<1x2112xf32, #tpu.memory_space<hbm>> -> memref<2112xf32, #tpu.memory_space<hbm>>
        %dma_wait3A_135 = arith.constant 0 : i32
        %dma_wait3A_136 = tpu.memref_slice %arg5[%add3A_50, %dma_wait3A_135] : memref<256x2112xf32, #tpu.memory_space<hbm>> -> memref<1x2112xf32, #tpu.memory_space<hbm>>
        %dma_wait3A_137 = tpu.memref_squeeze %dma_wait3A_136 : memref<1x2112xf32, #tpu.memory_space<hbm>> -> memref<2112xf32, #tpu.memory_space<hbm>>
        %dma_wait3A_138 = arith.constant 0 : i32
        %dma_wait3A_139 = tpu.memref_slice %arg11[%dma_wait3A_128, %dma_wait3A_138] : memref<2x2112xf32, #tpu.memory_space<vmem>> -> memref<1x2112xf32, #tpu.memory_space<vmem>>
        %dma_wait3A_140 = tpu.memref_squeeze %dma_wait3A_139 : memref<1x2112xf32, #tpu.memory_space<vmem>> -> memref<2112xf32, #tpu.memory_space<vmem>>
        tpu.wait_dma2 semaphore(%arg15 : memref<!tpu.dma_semaphore, #tpu.memory_space<semaphore_mem>>) src(%dma_wait3A_140 : memref<2112xf32, #tpu.memory_space<vmem>>) dst(%dma_wait3A_137 : memref<2112xf32, #tpu.memory_space<hbm>>)
      } else {
      }
      %scan3A_110 = arith.constant 0 : i32
      %scan3A_111 = arith.constant 0 : i32
      %scan3A_112 = arith.constant 11 : i32
      %scan3A_113 = arith.addi %scan3A_111, %scan3A_112 : i32
      %scan3A_114 = arith.constant 1 : i32
      %scan3A_115 = scf.for %scan3A_128 = %scan3A_111 to %scan3A_113 step %scan3A_114 iter_args(%scan3A_129 = %scan3A_110) -> (i32)  : i32 {
        %mul3A_130 = arith.constant 2 : i32
        %mul3A_131 = arith.muli %mul3A_130, %scan3A_128 : i32
        %add3A_132 = arith.constant 1 : i32
        %add3A_133 = arith.addi %mul3A_131, %add3A_132 : i32
        %dma_start3A_134 = arith.constant 0 : i32
        %dma_start3A_135 = tpu.memref_slice %arg7[%scan3A_48, %add3A_133, %dma_start3A_134] : memref<8x22x96xi32, #tpu.memory_space<vmem>> -> memref<1x1x96xi32, #tpu.memory_space<vmem>>
        %dma_start3A_136 = tpu.memref_squeeze %dma_start3A_135 : memref<1x1x96xi32, #tpu.memory_space<vmem>> -> memref<96xi32, #tpu.memory_space<vmem>>
        %dma_start3A_137 = arith.constant 0 : i32
        %dma_start3A_138 = arith.constant 0 : i32
        %dma_start3A_139 = tpu.memref_slice %arg4[%dma_start3A_137, %dma_start3A_138] : memref<500000x256xf32, #tpu.memory_space<hbm>> -> memref<500000x256xf32, #tpu.memory_space<hbm>>
        tpu.enqueue_indirect_dma source(%dma_start3A_139 : memref<500000x256xf32, #tpu.memory_space<hbm>>) target(%arg9 : memref<96x256xf32, #tpu.memory_space<vmem>>) offsets(%dma_start3A_136 : memref<96xi32, #tpu.memory_space<vmem>>) semaphore(%arg13 : memref<!tpu.dma_semaphore, #tpu.memory_space<semaphore_mem>>)
        %dma_wait3A_140 = arith.constant 0 : i32
        %dma_wait3A_141 = tpu.memref_slice %arg7[%scan3A_48, %mul3A_131, %dma_wait3A_140] : memref<8x22x96xi32, #tpu.memory_space<vmem>> -> memref<1x1x96xi32, #tpu.memory_space<vmem>>
        %dma_wait3A_142 = tpu.memref_squeeze %dma_wait3A_141 : memref<1x1x96xi32, #tpu.memory_space<vmem>> -> memref<96xi32, #tpu.memory_space<vmem>>
        %dma_wait3A_143 = arith.constant 0 : i32
        %dma_wait3A_144 = arith.constant 0 : i32
        %dma_wait3A_145 = tpu.memref_slice %arg4[%dma_wait3A_143, %dma_wait3A_144] : memref<500000x256xf32, #tpu.memory_space<hbm>> -> memref<500000x256xf32, #tpu.memory_space<hbm>>
        tpu.wait_indirect_dma semaphore(%arg12 : memref<!tpu.dma_semaphore, #tpu.memory_space<semaphore_mem>>) src(%dma_wait3A_145 : memref<500000x256xf32, #tpu.memory_space<hbm>>) dst(%arg8 : memref<96x256xf32, #tpu.memory_space<vmem>>)
        %scan3A_146 = arith.constant 0 : i32
        %scan3A_147 = arith.constant 0 : i32
        %scan3A_148 = arith.constant 6 : i32
        %scan3A_149 = arith.addi %scan3A_147, %scan3A_148 : i32
        %scan3A_150 = arith.constant 1 : i32
        %scan3A_151 = scf.for %scan3A_183 = %scan3A_147 to %scan3A_149 step %scan3A_150 iter_args(%scan3A_184 = %scan3A_146) -> (i32)  : i32 {
          %mul3A_185 = arith.constant 16 : i32
          %mul3A_186 = arith.muli %scan3A_183, %mul3A_185 : i32
          %parallel_loop3A = arith.constant 0 : i32
          %parallel_loop3A_187 = arith.constant 16 : i32
          %parallel_loop3A_188 = arith.constant 1 : i32
          scf.for %parallel_loop3A_321 = %parallel_loop3A to %parallel_loop3A_187 step %parallel_loop3A_188  : i32 {
            %parallel_loop3A_322 = arith.addi %mul3A_186, %parallel_loop3A_321 : i32
            %parallel_loop3A_323 = arith.index_cast %parallel_loop3A_322 : i32 to index
            %parallel_loop3A_324 = arith.constant 0 : index
            %parallel_loop3A_325 = tpu.vector_load %arg8[%parallel_loop3A_323, %parallel_loop3A_324] {strides = array<i32>} : memref<96x256xf32, #tpu.memory_space<vmem>>, vector<16xf32>,
            %parallel_loop3A_326 = arith.mulf %parallel_loop3A_325, %get3A_53 : vector<16xf32>
            %parallel_loop3A_327 = arith.addi %mul3A_186, %parallel_loop3A_321 : i32
            %parallel_loop3A_328 = arith.index_cast %parallel_loop3A_327 : i32 to index
            %parallel_loop3A_329 = arith.constant 16 : index
            %parallel_loop3A_330 = tpu.vector_load %arg8[%parallel_loop3A_328, %parallel_loop3A_329] {strides = array<i32>} : memref<96x256xf32, #tpu.memory_space<vmem>>, vector<16xf32>,
            %parallel_loop3A_331 = arith.mulf %parallel_loop3A_330, %get3A_56 : vector<16xf32>
            %parallel_loop3A_332 = arith.addi %mul3A_186, %parallel_loop3A_321 : i32
            %parallel_loop3A_333 = arith.index_cast %parallel_loop3A_332 : i32 to index
            %parallel_loop3A_334 = arith.constant 32 : index
            %parallel_loop3A_335 = tpu.vector_load %arg8[%parallel_loop3A_333, %parallel_loop3A_334] {strides = array<i32>} : memref<96x256xf32, #tpu.memory_space<vmem>>, vector<16xf32>,
            %parallel_loop3A_336 = arith.mulf %parallel_loop3A_335, %get3A_59 : vector<16xf32>
            %parallel_loop3A_337 = arith.addi %mul3A_186, %parallel_loop3A_321 : i32
            %parallel_loop3A_338 = arith.index_cast %parallel_loop3A_337 : i32 to index
            %parallel_loop3A_339 = arith.constant 48 : index
            %parallel_loop3A_340 = tpu.vector_load %arg8[%parallel_loop3A_338, %parallel_loop3A_339] {strides = array<i32>} : memref<96x256xf32, #tpu.memory_space<vmem>>, vector<16xf32>,
            %parallel_loop3A_341 = arith.mulf %parallel_loop3A_340, %get3A_62 : vector<16xf32>
            %parallel_loop3A_342 = arith.addi %mul3A_186, %parallel_loop3A_321 : i32
            %parallel_loop3A_343 = arith.index_cast %parallel_loop3A_342 : i32 to index
            %parallel_loop3A_344 = arith.constant 64 : index
            %parallel_loop3A_345 = tpu.vector_load %arg8[%parallel_loop3A_343, %parallel_loop3A_344] {strides = array<i32>} : memref<96x256xf32, #tpu.memory_space<vmem>>, vector<16xf32>,
            %parallel_loop3A_346 = arith.mulf %parallel_loop3A_345, %get3A_65 : vector<16xf32>
            %parallel_loop3A_347 = arith.addi %mul3A_186, %parallel_loop3A_321 : i32
            %parallel_loop3A_348 = arith.index_cast %parallel_loop3A_347 : i32 to index
            %parallel_loop3A_349 = arith.constant 80 : index
            %parallel_loop3A_350 = tpu.vector_load %arg8[%parallel_loop3A_348, %parallel_loop3A_349] {strides = array<i32>} : memref<96x256xf32, #tpu.memory_space<vmem>>, vector<16xf32>,
            %parallel_loop3A_351 = arith.mulf %parallel_loop3A_350, %get3A_68 : vector<16xf32>
            %parallel_loop3A_352 = arith.addi %mul3A_186, %parallel_loop3A_321 : i32
            %parallel_loop3A_353 = arith.index_cast %parallel_loop3A_352 : i32 to index
            %parallel_loop3A_354 = arith.constant 96 : index
            %parallel_loop3A_355 = tpu.vector_load %arg8[%parallel_loop3A_353, %parallel_loop3A_354] {strides = array<i32>} : memref<96x256xf32, #tpu.memory_space<vmem>>, vector<16xf32>,
            %parallel_loop3A_356 = arith.mulf %parallel_loop3A_355, %get3A_71 : vector<16xf32>
            %parallel_loop3A_357 = arith.addi %mul3A_186, %parallel_loop3A_321 : i32
            %parallel_loop3A_358 = arith.index_cast %parallel_loop3A_357 : i32 to index
            %parallel_loop3A_359 = arith.constant 112 : index
            %parallel_loop3A_360 = tpu.vector_load %arg8[%parallel_loop3A_358, %parallel_loop3A_359] {strides = array<i32>} : memref<96x256xf32, #tpu.memory_space<vmem>>, vector<16xf32>,
            %parallel_loop3A_361 = arith.mulf %parallel_loop3A_360, %get3A_74 : vector<16xf32>
            %parallel_loop3A_362 = arith.addi %mul3A_186, %parallel_loop3A_321 : i32
            %parallel_loop3A_363 = arith.index_cast %parallel_loop3A_362 : i32 to index
            %parallel_loop3A_364 = arith.constant 128 : index
            %parallel_loop3A_365 = tpu.vector_load %arg8[%parallel_loop3A_363, %parallel_loop3A_364] {strides = array<i32>} : memref<96x256xf32, #tpu.memory_space<vmem>>, vector<16xf32>,
            %parallel_loop3A_366 = arith.mulf %parallel_loop3A_365, %get3A_77 : vector<16xf32>
            %parallel_loop3A_367 = arith.addi %mul3A_186, %parallel_loop3A_321 : i32
            %parallel_loop3A_368 = arith.index_cast %parallel_loop3A_367 : i32 to index
            %parallel_loop3A_369 = arith.constant 144 : index
            %parallel_loop3A_370 = tpu.vector_load %arg8[%parallel_loop3A_368, %parallel_loop3A_369] {strides = array<i32>} : memref<96x256xf32, #tpu.memory_space<vmem>>, vector<16xf32>,
            %parallel_loop3A_371 = arith.mulf %parallel_loop3A_370, %get3A_80 : vector<16xf32>
            %parallel_loop3A_372 = arith.addi %mul3A_186, %parallel_loop3A_321 : i32
            %parallel_loop3A_373 = arith.index_cast %parallel_loop3A_372 : i32 to index
            %parallel_loop3A_374 = arith.constant 160 : index
            %parallel_loop3A_375 = tpu.vector_load %arg8[%parallel_loop3A_373, %parallel_loop3A_374] {strides = array<i32>} : memref<96x256xf32, #tpu.memory_space<vmem>>, vector<16xf32>,
            %parallel_loop3A_376 = arith.mulf %parallel_loop3A_375, %get3A_83 : vector<16xf32>
            %parallel_loop3A_377 = arith.addi %mul3A_186, %parallel_loop3A_321 : i32
            %parallel_loop3A_378 = arith.index_cast %parallel_loop3A_377 : i32 to index
            %parallel_loop3A_379 = arith.constant 176 : index
            %parallel_loop3A_380 = tpu.vector_load %arg8[%parallel_loop3A_378, %parallel_loop3A_379] {strides = array<i32>} : memref<96x256xf32, #tpu.memory_space<vmem>>, vector<16xf32>,
            %parallel_loop3A_381 = arith.mulf %parallel_loop3A_380, %get3A_86 : vector<16xf32>
            %parallel_loop3A_382 = arith.addi %mul3A_186, %parallel_loop3A_321 : i32
            %parallel_loop3A_383 = arith.index_cast %parallel_loop3A_382 : i32 to index
            %parallel_loop3A_384 = arith.constant 192 : index
            %parallel_loop3A_385 = tpu.vector_load %arg8[%parallel_loop3A_383, %parallel_loop3A_384] {strides = array<i32>} : memref<96x256xf32, #tpu.memory_space<vmem>>, vector<16xf32>,
            %parallel_loop3A_386 = arith.mulf %parallel_loop3A_385, %get3A_89 : vector<16xf32>
            %parallel_loop3A_387 = arith.addi %mul3A_186, %parallel_loop3A_321 : i32
            %parallel_loop3A_388 = arith.index_cast %parallel_loop3A_387 : i32 to index
            %parallel_loop3A_389 = arith.constant 208 : index
            %parallel_loop3A_390 = tpu.vector_load %arg8[%parallel_loop3A_388, %parallel_loop3A_389] {strides = array<i32>} : memref<96x256xf32, #tpu.memory_space<vmem>>, vector<16xf32>,
            %parallel_loop3A_391 = arith.mulf %parallel_loop3A_390, %get3A_92 : vector<16xf32>
            %parallel_loop3A_392 = arith.addi %mul3A_186, %parallel_loop3A_321 : i32
            %parallel_loop3A_393 = arith.index_cast %parallel_loop3A_392 : i32 to index
            %parallel_loop3A_394 = arith.constant 224 : index
            %parallel_loop3A_395 = tpu.vector_load %arg8[%parallel_loop3A_393, %parallel_loop3A_394] {strides = array<i32>} : memref<96x256xf32, #tpu.memory_space<vmem>>, vector<16xf32>,
            %parallel_loop3A_396 = arith.mulf %parallel_loop3A_395, %get3A_95 : vector<16xf32>
            %parallel_loop3A_397 = arith.addi %mul3A_186, %parallel_loop3A_321 : i32
            %parallel_loop3A_398 = arith.index_cast %parallel_loop3A_397 : i32 to index
            %parallel_loop3A_399 = arith.constant 240 : index
            %parallel_loop3A_400 = tpu.vector_load %arg8[%parallel_loop3A_398, %parallel_loop3A_399] {strides = array<i32>} : memref<96x256xf32, #tpu.memory_space<vmem>>, vector<16xf32>,
            %parallel_loop3A_401 = arith.mulf %parallel_loop3A_400, %get3A_98 : vector<16xf32>
            %parallel_loop3A_402 = arith.addf %parallel_loop3A_326, %parallel_loop3A_331 : vector<16xf32>
            %parallel_loop3A_403 = arith.addf %parallel_loop3A_336, %parallel_loop3A_341 : vector<16xf32>
            %parallel_loop3A_404 = arith.addf %parallel_loop3A_346, %parallel_loop3A_351 : vector<16xf32>
            %parallel_loop3A_405 = arith.addf %parallel_loop3A_356, %parallel_loop3A_361 : vector<16xf32>
            %parallel_loop3A_406 = arith.addf %parallel_loop3A_366, %parallel_loop3A_371 : vector<16xf32>
            %parallel_loop3A_407 = arith.addf %parallel_loop3A_376, %parallel_loop3A_381 : vector<16xf32>
            %parallel_loop3A_408 = arith.addf %parallel_loop3A_386, %parallel_loop3A_391 : vector<16xf32>
            %parallel_loop3A_409 = arith.addf %parallel_loop3A_396, %parallel_loop3A_401 : vector<16xf32>
            %parallel_loop3A_410 = arith.addf %parallel_loop3A_402, %parallel_loop3A_403 : vector<16xf32>
            %parallel_loop3A_411 = arith.addf %parallel_loop3A_404, %parallel_loop3A_405 : vector<16xf32>
            %parallel_loop3A_412 = arith.addf %parallel_loop3A_406, %parallel_loop3A_407 : vector<16xf32>
            %parallel_loop3A_413 = arith.addf %parallel_loop3A_408, %parallel_loop3A_409 : vector<16xf32>
            %parallel_loop3A_414 = arith.addf %parallel_loop3A_410, %parallel_loop3A_411 : vector<16xf32>
            %parallel_loop3A_415 = arith.addf %parallel_loop3A_412, %parallel_loop3A_413 : vector<16xf32>
            %parallel_loop3A_416 = arith.addf %parallel_loop3A_414, %parallel_loop3A_415 : vector<16xf32>
            %parallel_loop3A_417 = arith.constant 17 : i32
            %parallel_loop3A_418 = arith.muli %parallel_loop3A_417, %parallel_loop3A_321 : i32
            %parallel_loop3A_419 = vector.broadcast %parallel_loop3A_418 : i32 to vector<16xi32>
            %parallel_loop3A_420 = arith.addi %iota3A, %parallel_loop3A_419 : vector<16xi32>
            tpu.vector_store_idx %arg10[%parallel_loop3A_420], %parallel_loop3A_416 : memref<544xf32, #tpu.memory_space<vmem>>[vector<16xi32>], vector<16xf32>,
          } {sc.loop_unroll_factor = 4 : i64, sc.parallel_access}
          %mul3A_189 = arith.constant 17 : i32
          %mul3A_190 = vector.broadcast %mul3A_189 : i32 to vector<16xi32>
          %mul3A_191 = arith.muli %iota3A, %mul3A_190 : vector<16xi32>
          %add3A_192 = arith.constant 0 : i32
          %add3A_193 = vector.broadcast %add3A_192 : i32 to vector<16xi32>
          %add3A_194 = arith.addi %mul3A_191, %add3A_193 : vector<16xi32>
          %gather3A = tpu.vector_load_idx %arg10[%add3A_194] : memref<544xf32, #tpu.memory_space<vmem>>[vector<16xi32>], vector<16xf32>,
          %mul3A_195 = arith.constant 17 : i32
          %mul3A_196 = vector.broadcast %mul3A_195 : i32 to vector<16xi32>
          %mul3A_197 = arith.muli %iota3A, %mul3A_196 : vector<16xi32>
          %add3A_198 = arith.constant 1 : i32
          %add3A_199 = vector.broadcast %add3A_198 : i32 to vector<16xi32>
          %add3A_200 = arith.addi %mul3A_197, %add3A_199 : vector<16xi32>
          %gather3A_201 = tpu.vector_load_idx %arg10[%add3A_200] : memref<544xf32, #tpu.memory_space<vmem>>[vector<16xi32>], vector<16xf32>,
          %mul3A_202 = arith.constant 17 : i32
          %mul3A_203 = vector.broadcast %mul3A_202 : i32 to vector<16xi32>
          %mul3A_204 = arith.muli %iota3A, %mul3A_203 : vector<16xi32>
          %add3A_205 = arith.constant 2 : i32
          %add3A_206 = vector.broadcast %add3A_205 : i32 to vector<16xi32>
          %add3A_207 = arith.addi %mul3A_204, %add3A_206 : vector<16xi32>
          %gather3A_208 = tpu.vector_load_idx %arg10[%add3A_207] : memref<544xf32, #tpu.memory_space<vmem>>[vector<16xi32>], vector<16xf32>,
          %mul3A_209 = arith.constant 17 : i32
          %mul3A_210 = vector.broadcast %mul3A_209 : i32 to vector<16xi32>
          %mul3A_211 = arith.muli %iota3A, %mul3A_210 : vector<16xi32>
          %add3A_212 = arith.constant 3 : i32
          %add3A_213 = vector.broadcast %add3A_212 : i32 to vector<16xi32>
          %add3A_214 = arith.addi %mul3A_211, %add3A_213 : vector<16xi32>
          %gather3A_215 = tpu.vector_load_idx %arg10[%add3A_214] : memref<544xf32, #tpu.memory_space<vmem>>[vector<16xi32>], vector<16xf32>,
          %mul3A_216 = arith.constant 17 : i32
          %mul3A_217 = vector.broadcast %mul3A_216 : i32 to vector<16xi32>
          %mul3A_218 = arith.muli %iota3A, %mul3A_217 : vector<16xi32>
          %add3A_219 = arith.constant 4 : i32
          %add3A_220 = vector.broadcast %add3A_219 : i32 to vector<16xi32>
          %add3A_221 = arith.addi %mul3A_218, %add3A_220 : vector<16xi32>
          %gather3A_222 = tpu.vector_load_idx %arg10[%add3A_221] : memref<544xf32, #tpu.memory_space<vmem>>[vector<16xi32>], vector<16xf32>,
          %mul3A_223 = arith.constant 17 : i32
          %mul3A_224 = vector.broadcast %mul3A_223 : i32 to vector<16xi32>
          %mul3A_225 = arith.muli %iota3A, %mul3A_224 : vector<16xi32>
          %add3A_226 = arith.constant 5 : i32
          %add3A_227 = vector.broadcast %add3A_226 : i32 to vector<16xi32>
          %add3A_228 = arith.addi %mul3A_225, %add3A_227 : vector<16xi32>
          %gather3A_229 = tpu.vector_load_idx %arg10[%add3A_228] : memref<544xf32, #tpu.memory_space<vmem>>[vector<16xi32>], vector<16xf32>,
          %mul3A_230 = arith.constant 17 : i32
          %mul3A_231 = vector.broadcast %mul3A_230 : i32 to vector<16xi32>
          %mul3A_232 = arith.muli %iota3A, %mul3A_231 : vector<16xi32>
          %add3A_233 = arith.constant 6 : i32
          %add3A_234 = vector.broadcast %add3A_233 : i32 to vector<16xi32>
          %add3A_235 = arith.addi %mul3A_232, %add3A_234 : vector<16xi32>
          %gather3A_236 = tpu.vector_load_idx %arg10[%add3A_235] : memref<544xf32, #tpu.memory_space<vmem>>[vector<16xi32>], vector<16xf32>,
          %mul3A_237 = arith.constant 17 : i32
          %mul3A_238 = vector.broadcast %mul3A_237 : i32 to vector<16xi32>
          %mul3A_239 = arith.muli %iota3A, %mul3A_238 : vector<16xi32>
          %add3A_240 = arith.constant 7 : i32
          %add3A_241 = vector.broadcast %add3A_240 : i32 to vector<16xi32>
          %add3A_242 = arith.addi %mul3A_239, %add3A_241 : vector<16xi32>
          %gather3A_243 = tpu.vector_load_idx %arg10[%add3A_242] : memref<544xf32, #tpu.memory_space<vmem>>[vector<16xi32>], vector<16xf32>,
          %mul3A_244 = arith.constant 17 : i32
          %mul3A_245 = vector.broadcast %mul3A_244 : i32 to vector<16xi32>
          %mul3A_246 = arith.muli %iota3A, %mul3A_245 : vector<16xi32>
          %add3A_247 = arith.constant 8 : i32
          %add3A_248 = vector.broadcast %add3A_247 : i32 to vector<16xi32>
          %add3A_249 = arith.addi %mul3A_246, %add3A_248 : vector<16xi32>
          %gather3A_250 = tpu.vector_load_idx %arg10[%add3A_249] : memref<544xf32, #tpu.memory_space<vmem>>[vector<16xi32>], vector<16xf32>,
          %mul3A_251 = arith.constant 17 : i32
          %mul3A_252 = vector.broadcast %mul3A_251 : i32 to vector<16xi32>
          %mul3A_253 = arith.muli %iota3A, %mul3A_252 : vector<16xi32>
          %add3A_254 = arith.constant 9 : i32
          %add3A_255 = vector.broadcast %add3A_254 : i32 to vector<16xi32>
          %add3A_256 = arith.addi %mul3A_253, %add3A_255 : vector<16xi32>
          %gather3A_257 = tpu.vector_load_idx %arg10[%add3A_256] : memref<544xf32, #tpu.memory_space<vmem>>[vector<16xi32>], vector<16xf32>,
          %mul3A_258 = arith.constant 17 : i32
          %mul3A_259 = vector.broadcast %mul3A_258 : i32 to vector<16xi32>
          %mul3A_260 = arith.muli %iota3A, %mul3A_259 : vector<16xi32>
          %add3A_261 = arith.constant 10 : i32
          %add3A_262 = vector.broadcast %add3A_261 : i32 to vector<16xi32>
          %add3A_263 = arith.addi %mul3A_260, %add3A_262 : vector<16xi32>
          %gather3A_264 = tpu.vector_load_idx %arg10[%add3A_263] : memref<544xf32, #tpu.memory_space<vmem>>[vector<16xi32>], vector<16xf32>,
          %mul3A_265 = arith.constant 17 : i32
          %mul3A_266 = vector.broadcast %mul3A_265 : i32 to vector<16xi32>
          %mul3A_267 = arith.muli %iota3A, %mul3A_266 : vector<16xi32>
          %add3A_268 = arith.constant 11 : i32
          %add3A_269 = vector.broadcast %add3A_268 : i32 to vector<16xi32>
          %add3A_270 = arith.addi %mul3A_267, %add3A_269 : vector<16xi32>
          %gather3A_271 = tpu.vector_load_idx %arg10[%add3A_270] : memref<544xf32, #tpu.memory_space<vmem>>[vector<16xi32>], vector<16xf32>,
          %mul3A_272 = arith.constant 17 : i32
          %mul3A_273 = vector.broadcast %mul3A_272 : i32 to vector<16xi32>
          %mul3A_274 = arith.muli %iota3A, %mul3A_273 : vector<16xi32>
          %add3A_275 = arith.constant 12 : i32
          %add3A_276 = vector.broadcast %add3A_275 : i32 to vector<16xi32>
          %add3A_277 = arith.addi %mul3A_274, %add3A_276 : vector<16xi32>
          %gather3A_278 = tpu.vector_load_idx %arg10[%add3A_277] : memref<544xf32, #tpu.memory_space<vmem>>[vector<16xi32>], vector<16xf32>,
          %mul3A_279 = arith.constant 17 : i32
          %mul3A_280 = vector.broadcast %mul3A_279 : i32 to vector<16xi32>
          %mul3A_281 = arith.muli %iota3A, %mul3A_280 : vector<16xi32>
          %add3A_282 = arith.constant 13 : i32
          %add3A_283 = vector.broadcast %add3A_282 : i32 to vector<16xi32>
          %add3A_284 = arith.addi %mul3A_281, %add3A_283 : vector<16xi32>
          %gather3A_285 = tpu.vector_load_idx %arg10[%add3A_284] : memref<544xf32, #tpu.memory_space<vmem>>[vector<16xi32>], vector<16xf32>,
          %mul3A_286 = arith.constant 17 : i32
          %mul3A_287 = vector.broadcast %mul3A_286 : i32 to vector<16xi32>
          %mul3A_288 = arith.muli %iota3A, %mul3A_287 : vector<16xi32>
          %add3A_289 = arith.constant 14 : i32
          %add3A_290 = vector.broadcast %add3A_289 : i32 to vector<16xi32>
          %add3A_291 = arith.addi %mul3A_288, %add3A_290 : vector<16xi32>
          %gather3A_292 = tpu.vector_load_idx %arg10[%add3A_291] : memref<544xf32, #tpu.memory_space<vmem>>[vector<16xi32>], vector<16xf32>,
          %mul3A_293 = arith.constant 17 : i32
          %mul3A_294 = vector.broadcast %mul3A_293 : i32 to vector<16xi32>
          %mul3A_295 = arith.muli %iota3A, %mul3A_294 : vector<16xi32>
          %add3A_296 = arith.constant 15 : i32
          %add3A_297 = vector.broadcast %add3A_296 : i32 to vector<16xi32>
          %add3A_298 = arith.addi %mul3A_295, %add3A_297 : vector<16xi32>
          %gather3A_299 = tpu.vector_load_idx %arg10[%add3A_298] : memref<544xf32, #tpu.memory_space<vmem>>[vector<16xi32>], vector<16xf32>,
          %add3A_300 = arith.addf %gather3A, %gather3A_201 : vector<16xf32>
          %add3A_301 = arith.addf %gather3A_208, %gather3A_215 : vector<16xf32>
          %add3A_302 = arith.addf %gather3A_222, %gather3A_229 : vector<16xf32>
          %add3A_303 = arith.addf %gather3A_236, %gather3A_243 : vector<16xf32>
          %add3A_304 = arith.addf %gather3A_250, %gather3A_257 : vector<16xf32>
          %add3A_305 = arith.addf %gather3A_264, %gather3A_271 : vector<16xf32>
          %add3A_306 = arith.addf %gather3A_278, %gather3A_285 : vector<16xf32>
          %add3A_307 = arith.addf %gather3A_292, %gather3A_299 : vector<16xf32>
          %add3A_308 = arith.addf %add3A_300, %add3A_301 : vector<16xf32>
          %add3A_309 = arith.addf %add3A_302, %add3A_303 : vector<16xf32>
          %add3A_310 = arith.addf %add3A_304, %add3A_305 : vector<16xf32>
          %add3A_311 = arith.addf %add3A_306, %add3A_307 : vector<16xf32>
          %add3A_312 = arith.addf %add3A_308, %add3A_309 : vector<16xf32>
          %add3A_313 = arith.addf %add3A_310, %add3A_311 : vector<16xf32>
          %add3A_314 = arith.addf %add3A_312, %add3A_313 : vector<16xf32>
          %mul3A_315 = arith.constant 96 : i32
          %mul3A_316 = arith.muli %mul3A_131, %mul3A_315 : i32
          %add3A_317 = arith.addi %mul3A_316, %mul3A_186 : i32
          %swap3A = arith.index_cast %rem3A_51 : i32 to index
          %swap3A_318 = arith.index_cast %add3A_317 : i32 to index
          %swap3A_319 = tpu.vector_load %arg11[%swap3A, %swap3A_318] {strides = array<i32>} : memref<2x2112xf32, #tpu.memory_space<vmem>>, vector<16xf32>,
          tpu.vector_store %arg11[%swap3A, %swap3A_318], %add3A_314 {strides = array<i32>} : memref<2x2112xf32, #tpu.memory_space<vmem>>, vector<16xf32>,
          %scan3A_320 = arith.constant 0 : i32
          scf.yield %scan3A_320 : i32
        }
        %scan3A_152 = arith.constant 6 : i32
        %lt3A = arith.constant 10 : i32
        %lt3A_153 = arith.cmpi slt, %scan3A_128, %lt3A : i32
        %convert_element_type3A_154 = arith.extui %lt3A_153 : i1 to i32
        %cond3A_155 = arith.constant 0 : i32
        %cond3A_156 = arith.cmpi ne, %convert_element_type3A_154, %cond3A_155 : i32
        scf.if %cond3A_156 {
          %add3A_183 = arith.constant 2 : i32
          %add3A_184 = arith.addi %mul3A_131, %add3A_183 : i32
          %dma_start3A_185 = arith.constant 0 : i32
          %dma_start3A_186 = tpu.memref_slice %arg7[%scan3A_48, %add3A_184, %dma_start3A_185] : memref<8x22x96xi32, #tpu.memory_space<vmem>> -> memref<1x1x96xi32, #tpu.memory_space<vmem>>
          %dma_start3A_187 = tpu.memref_squeeze %dma_start3A_186 : memref<1x1x96xi32, #tpu.memory_space<vmem>> -> memref<96xi32, #tpu.memory_space<vmem>>
          %dma_start3A_188 = arith.constant 0 : i32
          %dma_start3A_189 = arith.constant 0 : i32
          %dma_start3A_190 = tpu.memref_slice %arg4[%dma_start3A_188, %dma_start3A_189] : memref<500000x256xf32, #tpu.memory_space<hbm>> -> memref<500000x256xf32, #tpu.memory_space<hbm>>
          tpu.enqueue_indirect_dma source(%dma_start3A_190 : memref<500000x256xf32, #tpu.memory_space<hbm>>) target(%arg8 : memref<96x256xf32, #tpu.memory_space<vmem>>) offsets(%dma_start3A_187 : memref<96xi32, #tpu.memory_space<vmem>>) semaphore(%arg12 : memref<!tpu.dma_semaphore, #tpu.memory_space<semaphore_mem>>)
        } else {
        }
        %eq3A_157 = arith.constant 10 : i32
        %eq3A_158 = arith.cmpi eq, %scan3A_128, %eq3A_157 : i32
        %lt3A_159 = arith.constant 7 : i32
        %lt3A_160 = arith.cmpi slt, %scan3A_48, %lt3A_159 : i32
        %and3A_161 = arith.andi %eq3A_158, %lt3A_160 : i1
        %convert_element_type3A_162 = arith.extui %and3A_161 : i1 to i32
        %cond3A_163 = arith.constant 0 : i32
        %cond3A_164 = arith.cmpi ne, %convert_element_type3A_162, %cond3A_163 : i32
        scf.if %cond3A_164 {
          %add3A_183 = arith.constant 1 : i32
          %add3A_184 = arith.addi %scan3A_48, %add3A_183 : i32
          %dma_start3A_185 = arith.constant 0 : i32
          %dma_start3A_186 = arith.constant 0 : i32
          %dma_start3A_187 = tpu.memref_slice %arg7[%add3A_184, %dma_start3A_185, %dma_start3A_186] : memref<8x22x96xi32, #tpu.memory_space<vmem>> -> memref<1x1x96xi32, #tpu.memory_space<vmem>>
          %dma_start3A_188 = tpu.memref_squeeze %dma_start3A_187 : memref<1x1x96xi32, #tpu.memory_space<vmem>> -> memref<96xi32, #tpu.memory_space<vmem>>
          %dma_start3A_189 = arith.constant 0 : i32
          %dma_start3A_190 = arith.constant 0 : i32
          %dma_start3A_191 = tpu.memref_slice %arg4[%dma_start3A_189, %dma_start3A_190] : memref<500000x256xf32, #tpu.memory_space<hbm>> -> memref<500000x256xf32, #tpu.memory_space<hbm>>
          tpu.enqueue_indirect_dma source(%dma_start3A_191 : memref<500000x256xf32, #tpu.memory_space<hbm>>) target(%arg8 : memref<96x256xf32, #tpu.memory_space<vmem>>) offsets(%dma_start3A_188 : memref<96xi32, #tpu.memory_space<vmem>>) semaphore(%arg12 : memref<!tpu.dma_semaphore, #tpu.memory_space<semaphore_mem>>)
        } else {
        }
        %add3A_165 = arith.constant 1 : i32
        %add3A_166 = arith.addi %mul3A_131, %add3A_165 : i32
        %dma_wait3A_167 = arith.constant 0 : i32
        %dma_wait3A_168 = tpu.memref_slice %arg7[%scan3A_48, %add3A_166, %dma_wait3A_167] : memref<8x22x96xi32, #tpu.memory_space<vmem>> -> memref<1x1x96xi32, #tpu.memory_space<vmem>>
        %dma_wait3A_169 = tpu.memref_squeeze %dma_wait3A_168 : memref<1x1x96xi32, #tpu.memory_space<vmem>> -> memref<96xi32, #tpu.memory_space<vmem>>
        %dma_wait3A_170 = arith.constant 0 : i32
        %dma_wait3A_171 = arith.constant 0 : i32
        %dma_wait3A_172 = tpu.memref_slice %arg4[%dma_wait3A_170, %dma_wait3A_171] : memref<500000x256xf32, #tpu.memory_space<hbm>> -> memref<500000x256xf32, #tpu.memory_space<hbm>>
        tpu.wait_indirect_dma semaphore(%arg13 : memref<!tpu.dma_semaphore, #tpu.memory_space<semaphore_mem>>) src(%dma_wait3A_172 : memref<500000x256xf32, #tpu.memory_space<hbm>>) dst(%arg9 : memref<96x256xf32, #tpu.memory_space<vmem>>)
        %add3A_173 = arith.constant 1 : i32
        %add3A_174 = arith.addi %mul3A_131, %add3A_173 : i32
        %scan3A_175 = arith.constant 0 : i32
        %scan3A_176 = arith.constant 0 : i32
        %scan3A_177 = arith.constant 6 : i32
        %scan3A_178 = arith.addi %scan3A_176, %scan3A_177 : i32
        %scan3A_179 = arith.constant 1 : i32
        %scan3A_180 = scf.for %scan3A_183 = %scan3A_176 to %scan3A_178 step %scan3A_179 iter_args(%scan3A_184 = %scan3A_175) -> (i32)  : i32 {
          %mul3A_185 = arith.constant 16 : i32
          %mul3A_186 = arith.muli %scan3A_183, %mul3A_185 : i32
          %parallel_loop3A = arith.constant 0 : i32
          %parallel_loop3A_187 = arith.constant 16 : i32
          %parallel_loop3A_188 = arith.constant 1 : i32
          scf.for %parallel_loop3A_321 = %parallel_loop3A to %parallel_loop3A_187 step %parallel_loop3A_188  : i32 {
            %parallel_loop3A_322 = arith.addi %mul3A_186, %parallel_loop3A_321 : i32
            %parallel_loop3A_323 = arith.index_cast %parallel_loop3A_322 : i32 to index
            %parallel_loop3A_324 = arith.constant 0 : index
            %parallel_loop3A_325 = tpu.vector_load %arg9[%parallel_loop3A_323, %parallel_loop3A_324] {strides = array<i32>} : memref<96x256xf32, #tpu.memory_space<vmem>>, vector<16xf32>,
            %parallel_loop3A_326 = arith.mulf %parallel_loop3A_325, %get3A_53 : vector<16xf32>
            %parallel_loop3A_327 = arith.addi %mul3A_186, %parallel_loop3A_321 : i32
            %parallel_loop3A_328 = arith.index_cast %parallel_loop3A_327 : i32 to index
            %parallel_loop3A_329 = arith.constant 16 : index
            %parallel_loop3A_330 = tpu.vector_load %arg9[%parallel_loop3A_328, %parallel_loop3A_329] {strides = array<i32>} : memref<96x256xf32, #tpu.memory_space<vmem>>, vector<16xf32>,
            %parallel_loop3A_331 = arith.mulf %parallel_loop3A_330, %get3A_56 : vector<16xf32>
            %parallel_loop3A_332 = arith.addi %mul3A_186, %parallel_loop3A_321 : i32
            %parallel_loop3A_333 = arith.index_cast %parallel_loop3A_332 : i32 to index
            %parallel_loop3A_334 = arith.constant 32 : index
            %parallel_loop3A_335 = tpu.vector_load %arg9[%parallel_loop3A_333, %parallel_loop3A_334] {strides = array<i32>} : memref<96x256xf32, #tpu.memory_space<vmem>>, vector<16xf32>,
            %parallel_loop3A_336 = arith.mulf %parallel_loop3A_335, %get3A_59 : vector<16xf32>
            %parallel_loop3A_337 = arith.addi %mul3A_186, %parallel_loop3A_321 : i32
            %parallel_loop3A_338 = arith.index_cast %parallel_loop3A_337 : i32 to index
            %parallel_loop3A_339 = arith.constant 48 : index
            %parallel_loop3A_340 = tpu.vector_load %arg9[%parallel_loop3A_338, %parallel_loop3A_339] {strides = array<i32>} : memref<96x256xf32, #tpu.memory_space<vmem>>, vector<16xf32>,
            %parallel_loop3A_341 = arith.mulf %parallel_loop3A_340, %get3A_62 : vector<16xf32>
            %parallel_loop3A_342 = arith.addi %mul3A_186, %parallel_loop3A_321 : i32
            %parallel_loop3A_343 = arith.index_cast %parallel_loop3A_342 : i32 to index
            %parallel_loop3A_344 = arith.constant 64 : index
            %parallel_loop3A_345 = tpu.vector_load %arg9[%parallel_loop3A_343, %parallel_loop3A_344] {strides = array<i32>} : memref<96x256xf32, #tpu.memory_space<vmem>>, vector<16xf32>,
            %parallel_loop3A_346 = arith.mulf %parallel_loop3A_345, %get3A_65 : vector<16xf32>
            %parallel_loop3A_347 = arith.addi %mul3A_186, %parallel_loop3A_321 : i32
            %parallel_loop3A_348 = arith.index_cast %parallel_loop3A_347 : i32 to index
            %parallel_loop3A_349 = arith.constant 80 : index
            %parallel_loop3A_350 = tpu.vector_load %arg9[%parallel_loop3A_348, %parallel_loop3A_349] {strides = array<i32>} : memref<96x256xf32, #tpu.memory_space<vmem>>, vector<16xf32>,
            %parallel_loop3A_351 = arith.mulf %parallel_loop3A_350, %get3A_68 : vector<16xf32>
            %parallel_loop3A_352 = arith.addi %mul3A_186, %parallel_loop3A_321 : i32
            %parallel_loop3A_353 = arith.index_cast %parallel_loop3A_352 : i32 to index
            %parallel_loop3A_354 = arith.constant 96 : index
            %parallel_loop3A_355 = tpu.vector_load %arg9[%parallel_loop3A_353, %parallel_loop3A_354] {strides = array<i32>} : memref<96x256xf32, #tpu.memory_space<vmem>>, vector<16xf32>,
            %parallel_loop3A_356 = arith.mulf %parallel_loop3A_355, %get3A_71 : vector<16xf32>
            %parallel_loop3A_357 = arith.addi %mul3A_186, %parallel_loop3A_321 : i32
            %parallel_loop3A_358 = arith.index_cast %parallel_loop3A_357 : i32 to index
            %parallel_loop3A_359 = arith.constant 112 : index
            %parallel_loop3A_360 = tpu.vector_load %arg9[%parallel_loop3A_358, %parallel_loop3A_359] {strides = array<i32>} : memref<96x256xf32, #tpu.memory_space<vmem>>, vector<16xf32>,
            %parallel_loop3A_361 = arith.mulf %parallel_loop3A_360, %get3A_74 : vector<16xf32>
            %parallel_loop3A_362 = arith.addi %mul3A_186, %parallel_loop3A_321 : i32
            %parallel_loop3A_363 = arith.index_cast %parallel_loop3A_362 : i32 to index
            %parallel_loop3A_364 = arith.constant 128 : index
            %parallel_loop3A_365 = tpu.vector_load %arg9[%parallel_loop3A_363, %parallel_loop3A_364] {strides = array<i32>} : memref<96x256xf32, #tpu.memory_space<vmem>>, vector<16xf32>,
            %parallel_loop3A_366 = arith.mulf %parallel_loop3A_365, %get3A_77 : vector<16xf32>
            %parallel_loop3A_367 = arith.addi %mul3A_186, %parallel_loop3A_321 : i32
            %parallel_loop3A_368 = arith.index_cast %parallel_loop3A_367 : i32 to index
            %parallel_loop3A_369 = arith.constant 144 : index
            %parallel_loop3A_370 = tpu.vector_load %arg9[%parallel_loop3A_368, %parallel_loop3A_369] {strides = array<i32>} : memref<96x256xf32, #tpu.memory_space<vmem>>, vector<16xf32>,
            %parallel_loop3A_371 = arith.mulf %parallel_loop3A_370, %get3A_80 : vector<16xf32>
            %parallel_loop3A_372 = arith.addi %mul3A_186, %parallel_loop3A_321 : i32
            %parallel_loop3A_373 = arith.index_cast %parallel_loop3A_372 : i32 to index
            %parallel_loop3A_374 = arith.constant 160 : index
            %parallel_loop3A_375 = tpu.vector_load %arg9[%parallel_loop3A_373, %parallel_loop3A_374] {strides = array<i32>} : memref<96x256xf32, #tpu.memory_space<vmem>>, vector<16xf32>,
            %parallel_loop3A_376 = arith.mulf %parallel_loop3A_375, %get3A_83 : vector<16xf32>
            %parallel_loop3A_377 = arith.addi %mul3A_186, %parallel_loop3A_321 : i32
            %parallel_loop3A_378 = arith.index_cast %parallel_loop3A_377 : i32 to index
            %parallel_loop3A_379 = arith.constant 176 : index
            %parallel_loop3A_380 = tpu.vector_load %arg9[%parallel_loop3A_378, %parallel_loop3A_379] {strides = array<i32>} : memref<96x256xf32, #tpu.memory_space<vmem>>, vector<16xf32>,
            %parallel_loop3A_381 = arith.mulf %parallel_loop3A_380, %get3A_86 : vector<16xf32>
            %parallel_loop3A_382 = arith.addi %mul3A_186, %parallel_loop3A_321 : i32
            %parallel_loop3A_383 = arith.index_cast %parallel_loop3A_382 : i32 to index
            %parallel_loop3A_384 = arith.constant 192 : index
            %parallel_loop3A_385 = tpu.vector_load %arg9[%parallel_loop3A_383, %parallel_loop3A_384] {strides = array<i32>} : memref<96x256xf32, #tpu.memory_space<vmem>>, vector<16xf32>,
            %parallel_loop3A_386 = arith.mulf %parallel_loop3A_385, %get3A_89 : vector<16xf32>
            %parallel_loop3A_387 = arith.addi %mul3A_186, %parallel_loop3A_321 : i32
            %parallel_loop3A_388 = arith.index_cast %parallel_loop3A_387 : i32 to index
            %parallel_loop3A_389 = arith.constant 208 : index
            %parallel_loop3A_390 = tpu.vector_load %arg9[%parallel_loop3A_388, %parallel_loop3A_389] {strides = array<i32>} : memref<96x256xf32, #tpu.memory_space<vmem>>, vector<16xf32>,
            %parallel_loop3A_391 = arith.mulf %parallel_loop3A_390, %get3A_92 : vector<16xf32>
            %parallel_loop3A_392 = arith.addi %mul3A_186, %parallel_loop3A_321 : i32
            %parallel_loop3A_393 = arith.index_cast %parallel_loop3A_392 : i32 to index
            %parallel_loop3A_394 = arith.constant 224 : index
            %parallel_loop3A_395 = tpu.vector_load %arg9[%parallel_loop3A_393, %parallel_loop3A_394] {strides = array<i32>} : memref<96x256xf32, #tpu.memory_space<vmem>>, vector<16xf32>,
            %parallel_loop3A_396 = arith.mulf %parallel_loop3A_395, %get3A_95 : vector<16xf32>
            %parallel_loop3A_397 = arith.addi %mul3A_186, %parallel_loop3A_321 : i32
            %parallel_loop3A_398 = arith.index_cast %parallel_loop3A_397 : i32 to index
            %parallel_loop3A_399 = arith.constant 240 : index
            %parallel_loop3A_400 = tpu.vector_load %arg9[%parallel_loop3A_398, %parallel_loop3A_399] {strides = array<i32>} : memref<96x256xf32, #tpu.memory_space<vmem>>, vector<16xf32>,
            %parallel_loop3A_401 = arith.mulf %parallel_loop3A_400, %get3A_98 : vector<16xf32>
            %parallel_loop3A_402 = arith.addf %parallel_loop3A_326, %parallel_loop3A_331 : vector<16xf32>
            %parallel_loop3A_403 = arith.addf %parallel_loop3A_336, %parallel_loop3A_341 : vector<16xf32>
            %parallel_loop3A_404 = arith.addf %parallel_loop3A_346, %parallel_loop3A_351 : vector<16xf32>
            %parallel_loop3A_405 = arith.addf %parallel_loop3A_356, %parallel_loop3A_361 : vector<16xf32>
            %parallel_loop3A_406 = arith.addf %parallel_loop3A_366, %parallel_loop3A_371 : vector<16xf32>
            %parallel_loop3A_407 = arith.addf %parallel_loop3A_376, %parallel_loop3A_381 : vector<16xf32>
            %parallel_loop3A_408 = arith.addf %parallel_loop3A_386, %parallel_loop3A_391 : vector<16xf32>
            %parallel_loop3A_409 = arith.addf %parallel_loop3A_396, %parallel_loop3A_401 : vector<16xf32>
            %parallel_loop3A_410 = arith.addf %parallel_loop3A_402, %parallel_loop3A_403 : vector<16xf32>
            %parallel_loop3A_411 = arith.addf %parallel_loop3A_404, %parallel_loop3A_405 : vector<16xf32>
            %parallel_loop3A_412 = arith.addf %parallel_loop3A_406, %parallel_loop3A_407 : vector<16xf32>
            %parallel_loop3A_413 = arith.addf %parallel_loop3A_408, %parallel_loop3A_409 : vector<16xf32>
            %parallel_loop3A_414 = arith.addf %parallel_loop3A_410, %parallel_loop3A_411 : vector<16xf32>
            %parallel_loop3A_415 = arith.addf %parallel_loop3A_412, %parallel_loop3A_413 : vector<16xf32>
            %parallel_loop3A_416 = arith.addf %parallel_loop3A_414, %parallel_loop3A_415 : vector<16xf32>
            %parallel_loop3A_417 = arith.constant 17 : i32
            %parallel_loop3A_418 = arith.muli %parallel_loop3A_417, %parallel_loop3A_321 : i32
            %parallel_loop3A_419 = vector.broadcast %parallel_loop3A_418 : i32 to vector<16xi32>
            %parallel_loop3A_420 = arith.addi %iota3A, %parallel_loop3A_419 : vector<16xi32>
            tpu.vector_store_idx %arg10[%parallel_loop3A_420], %parallel_loop3A_416 : memref<544xf32, #tpu.memory_space<vmem>>[vector<16xi32>], vector<16xf32>,
          } {sc.loop_unroll_factor = 4 : i64, sc.parallel_access}
          %mul3A_189 = arith.constant 17 : i32
          %mul3A_190 = vector.broadcast %mul3A_189 : i32 to vector<16xi32>
          %mul3A_191 = arith.muli %iota3A, %mul3A_190 : vector<16xi32>
          %add3A_192 = arith.constant 0 : i32
          %add3A_193 = vector.broadcast %add3A_192 : i32 to vector<16xi32>
          %add3A_194 = arith.addi %mul3A_191, %add3A_193 : vector<16xi32>
          %gather3A = tpu.vector_load_idx %arg10[%add3A_194] : memref<544xf32, #tpu.memory_space<vmem>>[vector<16xi32>], vector<16xf32>,
          %mul3A_195 = arith.constant 17 : i32
          %mul3A_196 = vector.broadcast %mul3A_195 : i32 to vector<16xi32>
          %mul3A_197 = arith.muli %iota3A, %mul3A_196 : vector<16xi32>
          %add3A_198 = arith.constant 1 : i32
          %add3A_199 = vector.broadcast %add3A_198 : i32 to vector<16xi32>
          %add3A_200 = arith.addi %mul3A_197, %add3A_199 : vector<16xi32>
          %gather3A_201 = tpu.vector_load_idx %arg10[%add3A_200] : memref<544xf32, #tpu.memory_space<vmem>>[vector<16xi32>], vector<16xf32>,
          %mul3A_202 = arith.constant 17 : i32
          %mul3A_203 = vector.broadcast %mul3A_202 : i32 to vector<16xi32>
          %mul3A_204 = arith.muli %iota3A, %mul3A_203 : vector<16xi32>
          %add3A_205 = arith.constant 2 : i32
          %add3A_206 = vector.broadcast %add3A_205 : i32 to vector<16xi32>
          %add3A_207 = arith.addi %mul3A_204, %add3A_206 : vector<16xi32>
          %gather3A_208 = tpu.vector_load_idx %arg10[%add3A_207] : memref<544xf32, #tpu.memory_space<vmem>>[vector<16xi32>], vector<16xf32>,
          %mul3A_209 = arith.constant 17 : i32
          %mul3A_210 = vector.broadcast %mul3A_209 : i32 to vector<16xi32>
          %mul3A_211 = arith.muli %iota3A, %mul3A_210 : vector<16xi32>
          %add3A_212 = arith.constant 3 : i32
          %add3A_213 = vector.broadcast %add3A_212 : i32 to vector<16xi32>
          %add3A_214 = arith.addi %mul3A_211, %add3A_213 : vector<16xi32>
          %gather3A_215 = tpu.vector_load_idx %arg10[%add3A_214] : memref<544xf32, #tpu.memory_space<vmem>>[vector<16xi32>], vector<16xf32>,
          %mul3A_216 = arith.constant 17 : i32
          %mul3A_217 = vector.broadcast %mul3A_216 : i32 to vector<16xi32>
          %mul3A_218 = arith.muli %iota3A, %mul3A_217 : vector<16xi32>
          %add3A_219 = arith.constant 4 : i32
          %add3A_220 = vector.broadcast %add3A_219 : i32 to vector<16xi32>
          %add3A_221 = arith.addi %mul3A_218, %add3A_220 : vector<16xi32>
          %gather3A_222 = tpu.vector_load_idx %arg10[%add3A_221] : memref<544xf32, #tpu.memory_space<vmem>>[vector<16xi32>], vector<16xf32>,
          %mul3A_223 = arith.constant 17 : i32
          %mul3A_224 = vector.broadcast %mul3A_223 : i32 to vector<16xi32>
          %mul3A_225 = arith.muli %iota3A, %mul3A_224 : vector<16xi32>
          %add3A_226 = arith.constant 5 : i32
          %add3A_227 = vector.broadcast %add3A_226 : i32 to vector<16xi32>
          %add3A_228 = arith.addi %mul3A_225, %add3A_227 : vector<16xi32>
          %gather3A_229 = tpu.vector_load_idx %arg10[%add3A_228] : memref<544xf32, #tpu.memory_space<vmem>>[vector<16xi32>], vector<16xf32>,
          %mul3A_230 = arith.constant 17 : i32
          %mul3A_231 = vector.broadcast %mul3A_230 : i32 to vector<16xi32>
          %mul3A_232 = arith.muli %iota3A, %mul3A_231 : vector<16xi32>
          %add3A_233 = arith.constant 6 : i32
          %add3A_234 = vector.broadcast %add3A_233 : i32 to vector<16xi32>
          %add3A_235 = arith.addi %mul3A_232, %add3A_234 : vector<16xi32>
          %gather3A_236 = tpu.vector_load_idx %arg10[%add3A_235] : memref<544xf32, #tpu.memory_space<vmem>>[vector<16xi32>], vector<16xf32>,
          %mul3A_237 = arith.constant 17 : i32
          %mul3A_238 = vector.broadcast %mul3A_237 : i32 to vector<16xi32>
          %mul3A_239 = arith.muli %iota3A, %mul3A_238 : vector<16xi32>
          %add3A_240 = arith.constant 7 : i32
          %add3A_241 = vector.broadcast %add3A_240 : i32 to vector<16xi32>
          %add3A_242 = arith.addi %mul3A_239, %add3A_241 : vector<16xi32>
          %gather3A_243 = tpu.vector_load_idx %arg10[%add3A_242] : memref<544xf32, #tpu.memory_space<vmem>>[vector<16xi32>], vector<16xf32>,
          %mul3A_244 = arith.constant 17 : i32
          %mul3A_245 = vector.broadcast %mul3A_244 : i32 to vector<16xi32>
          %mul3A_246 = arith.muli %iota3A, %mul3A_245 : vector<16xi32>
          %add3A_247 = arith.constant 8 : i32
          %add3A_248 = vector.broadcast %add3A_247 : i32 to vector<16xi32>
          %add3A_249 = arith.addi %mul3A_246, %add3A_248 : vector<16xi32>
          %gather3A_250 = tpu.vector_load_idx %arg10[%add3A_249] : memref<544xf32, #tpu.memory_space<vmem>>[vector<16xi32>], vector<16xf32>,
          %mul3A_251 = arith.constant 17 : i32
          %mul3A_252 = vector.broadcast %mul3A_251 : i32 to vector<16xi32>
          %mul3A_253 = arith.muli %iota3A, %mul3A_252 : vector<16xi32>
          %add3A_254 = arith.constant 9 : i32
          %add3A_255 = vector.broadcast %add3A_254 : i32 to vector<16xi32>
          %add3A_256 = arith.addi %mul3A_253, %add3A_255 : vector<16xi32>
          %gather3A_257 = tpu.vector_load_idx %arg10[%add3A_256] : memref<544xf32, #tpu.memory_space<vmem>>[vector<16xi32>], vector<16xf32>,
          %mul3A_258 = arith.constant 17 : i32
          %mul3A_259 = vector.broadcast %mul3A_258 : i32 to vector<16xi32>
          %mul3A_260 = arith.muli %iota3A, %mul3A_259 : vector<16xi32>
          %add3A_261 = arith.constant 10 : i32
          %add3A_262 = vector.broadcast %add3A_261 : i32 to vector<16xi32>
          %add3A_263 = arith.addi %mul3A_260, %add3A_262 : vector<16xi32>
          %gather3A_264 = tpu.vector_load_idx %arg10[%add3A_263] : memref<544xf32, #tpu.memory_space<vmem>>[vector<16xi32>], vector<16xf32>,
          %mul3A_265 = arith.constant 17 : i32
          %mul3A_266 = vector.broadcast %mul3A_265 : i32 to vector<16xi32>
          %mul3A_267 = arith.muli %iota3A, %mul3A_266 : vector<16xi32>
          %add3A_268 = arith.constant 11 : i32
          %add3A_269 = vector.broadcast %add3A_268 : i32 to vector<16xi32>
          %add3A_270 = arith.addi %mul3A_267, %add3A_269 : vector<16xi32>
          %gather3A_271 = tpu.vector_load_idx %arg10[%add3A_270] : memref<544xf32, #tpu.memory_space<vmem>>[vector<16xi32>], vector<16xf32>,
          %mul3A_272 = arith.constant 17 : i32
          %mul3A_273 = vector.broadcast %mul3A_272 : i32 to vector<16xi32>
          %mul3A_274 = arith.muli %iota3A, %mul3A_273 : vector<16xi32>
          %add3A_275 = arith.constant 12 : i32
          %add3A_276 = vector.broadcast %add3A_275 : i32 to vector<16xi32>
          %add3A_277 = arith.addi %mul3A_274, %add3A_276 : vector<16xi32>
          %gather3A_278 = tpu.vector_load_idx %arg10[%add3A_277] : memref<544xf32, #tpu.memory_space<vmem>>[vector<16xi32>], vector<16xf32>,
          %mul3A_279 = arith.constant 17 : i32
          %mul3A_280 = vector.broadcast %mul3A_279 : i32 to vector<16xi32>
          %mul3A_281 = arith.muli %iota3A, %mul3A_280 : vector<16xi32>
          %add3A_282 = arith.constant 13 : i32
          %add3A_283 = vector.broadcast %add3A_282 : i32 to vector<16xi32>
          %add3A_284 = arith.addi %mul3A_281, %add3A_283 : vector<16xi32>
          %gather3A_285 = tpu.vector_load_idx %arg10[%add3A_284] : memref<544xf32, #tpu.memory_space<vmem>>[vector<16xi32>], vector<16xf32>,
          %mul3A_286 = arith.constant 17 : i32
          %mul3A_287 = vector.broadcast %mul3A_286 : i32 to vector<16xi32>
          %mul3A_288 = arith.muli %iota3A, %mul3A_287 : vector<16xi32>
          %add3A_289 = arith.constant 14 : i32
          %add3A_290 = vector.broadcast %add3A_289 : i32 to vector<16xi32>
          %add3A_291 = arith.addi %mul3A_288, %add3A_290 : vector<16xi32>
          %gather3A_292 = tpu.vector_load_idx %arg10[%add3A_291] : memref<544xf32, #tpu.memory_space<vmem>>[vector<16xi32>], vector<16xf32>,
          %mul3A_293 = arith.constant 17 : i32
          %mul3A_294 = vector.broadcast %mul3A_293 : i32 to vector<16xi32>
          %mul3A_295 = arith.muli %iota3A, %mul3A_294 : vector<16xi32>
          %add3A_296 = arith.constant 15 : i32
          %add3A_297 = vector.broadcast %add3A_296 : i32 to vector<16xi32>
          %add3A_298 = arith.addi %mul3A_295, %add3A_297 : vector<16xi32>
          %gather3A_299 = tpu.vector_load_idx %arg10[%add3A_298] : memref<544xf32, #tpu.memory_space<vmem>>[vector<16xi32>], vector<16xf32>,
          %add3A_300 = arith.addf %gather3A, %gather3A_201 : vector<16xf32>
          %add3A_301 = arith.addf %gather3A_208, %gather3A_215 : vector<16xf32>
          %add3A_302 = arith.addf %gather3A_222, %gather3A_229 : vector<16xf32>
          %add3A_303 = arith.addf %gather3A_236, %gather3A_243 : vector<16xf32>
          %add3A_304 = arith.addf %gather3A_250, %gather3A_257 : vector<16xf32>
          %add3A_305 = arith.addf %gather3A_264, %gather3A_271 : vector<16xf32>
          %add3A_306 = arith.addf %gather3A_278, %gather3A_285 : vector<16xf32>
          %add3A_307 = arith.addf %gather3A_292, %gather3A_299 : vector<16xf32>
          %add3A_308 = arith.addf %add3A_300, %add3A_301 : vector<16xf32>
          %add3A_309 = arith.addf %add3A_302, %add3A_303 : vector<16xf32>
          %add3A_310 = arith.addf %add3A_304, %add3A_305 : vector<16xf32>
          %add3A_311 = arith.addf %add3A_306, %add3A_307 : vector<16xf32>
          %add3A_312 = arith.addf %add3A_308, %add3A_309 : vector<16xf32>
          %add3A_313 = arith.addf %add3A_310, %add3A_311 : vector<16xf32>
          %add3A_314 = arith.addf %add3A_312, %add3A_313 : vector<16xf32>
          %mul3A_315 = arith.constant 96 : i32
          %mul3A_316 = arith.muli %add3A_174, %mul3A_315 : i32
          %add3A_317 = arith.addi %mul3A_316, %mul3A_186 : i32
          %swap3A = arith.index_cast %rem3A_51 : i32 to index
          %swap3A_318 = arith.index_cast %add3A_317 : i32 to index
          %swap3A_319 = tpu.vector_load %arg11[%swap3A, %swap3A_318] {strides = array<i32>} : memref<2x2112xf32, #tpu.memory_space<vmem>>, vector<16xf32>,
          tpu.vector_store %arg11[%swap3A, %swap3A_318], %add3A_314 {strides = array<i32>} : memref<2x2112xf32, #tpu.memory_space<vmem>>, vector<16xf32>,
          %scan3A_320 = arith.constant 0 : i32
          scf.yield %scan3A_320 : i32
        }
        %scan3A_181 = arith.constant 6 : i32
        %scan3A_182 = arith.constant 0 : i32
        scf.yield %scan3A_182 : i32
      }
      %scan3A_116 = arith.constant 11 : i32
      %eq3A_117 = arith.constant 0 : i32
      %eq3A_118 = arith.cmpi eq, %rem3A_51, %eq3A_117 : i32
      %convert_element_type3A_119 = arith.extui %eq3A_118 : i1 to i32
      %cond3A_120 = arith.constant 0 : i32
      %cond3A_121 = arith.cmpi ne, %convert_element_type3A_119, %cond3A_120 : i32
      scf.if %cond3A_121 {
        %dma_start3A_128 = arith.constant 0 : i32
        %dma_start3A_129 = arith.constant 0 : i32
        %dma_start3A_130 = tpu.memref_slice %arg11[%dma_start3A_128, %dma_start3A_129] : memref<2x2112xf32, #tpu.memory_space<vmem>> -> memref<1x2112xf32, #tpu.memory_space<vmem>>
        %dma_start3A_131 = tpu.memref_squeeze %dma_start3A_130 : memref<1x2112xf32, #tpu.memory_space<vmem>> -> memref<2112xf32, #tpu.memory_space<vmem>>
        %dma_start3A_132 = arith.constant 0 : i32
        %dma_start3A_133 = tpu.memref_slice %arg5[%add3A_50, %dma_start3A_132] : memref<256x2112xf32, #tpu.memory_space<hbm>> -> memref<1x2112xf32, #tpu.memory_space<hbm>>
        %dma_start3A_134 = tpu.memref_squeeze %dma_start3A_133 : memref<1x2112xf32, #tpu.memory_space<hbm>> -> memref<2112xf32, #tpu.memory_space<hbm>>
        %dma_start3A_135 = arith.constant 0 : i32
        %dma_start3A_136 = tpu.memref_slice %arg5[%add3A_50, %dma_start3A_135] : memref<256x2112xf32, #tpu.memory_space<hbm>> -> memref<1x2112xf32, #tpu.memory_space<hbm>>
        %dma_start3A_137 = tpu.memref_squeeze %dma_start3A_136 : memref<1x2112xf32, #tpu.memory_space<hbm>> -> memref<2112xf32, #tpu.memory_space<hbm>>
        %dma_start3A_138 = arith.constant 0 : i32
        %dma_start3A_139 = tpu.memref_slice %arg11[%dma_start3A_128, %dma_start3A_138] : memref<2x2112xf32, #tpu.memory_space<vmem>> -> memref<1x2112xf32, #tpu.memory_space<vmem>>
        %dma_start3A_140 = tpu.memref_squeeze %dma_start3A_139 : memref<1x2112xf32, #tpu.memory_space<vmem>> -> memref<2112xf32, #tpu.memory_space<vmem>>
        tpu.enqueue_dma source(%dma_start3A_140 : memref<2112xf32, #tpu.memory_space<vmem>>) target(%dma_start3A_137 : memref<2112xf32, #tpu.memory_space<hbm>>) target_semaphore(%arg14 : memref<!tpu.dma_semaphore, #tpu.memory_space<semaphore_mem>>)
      } else {
      }
      %eq3A_122 = arith.constant 1 : i32
      %eq3A_123 = arith.cmpi eq, %rem3A_51, %eq3A_122 : i32
      %convert_element_type3A_124 = arith.extui %eq3A_123 : i1 to i32
      %cond3A_125 = arith.constant 0 : i32
      %cond3A_126 = arith.cmpi ne, %convert_element_type3A_124, %cond3A_125 : i32
      scf.if %cond3A_126 {
        %dma_start3A_128 = arith.constant 1 : i32
        %dma_start3A_129 = arith.constant 0 : i32
        %dma_start3A_130 = tpu.memref_slice %arg11[%dma_start3A_128, %dma_start3A_129] : memref<2x2112xf32, #tpu.memory_space<vmem>> -> memref<1x2112xf32, #tpu.memory_space<vmem>>
        %dma_start3A_131 = tpu.memref_squeeze %dma_start3A_130 : memref<1x2112xf32, #tpu.memory_space<vmem>> -> memref<2112xf32, #tpu.memory_space<vmem>>
        %dma_start3A_132 = arith.constant 0 : i32
        %dma_start3A_133 = tpu.memref_slice %arg5[%add3A_50, %dma_start3A_132] : memref<256x2112xf32, #tpu.memory_space<hbm>> -> memref<1x2112xf32, #tpu.memory_space<hbm>>
        %dma_start3A_134 = tpu.memref_squeeze %dma_start3A_133 : memref<1x2112xf32, #tpu.memory_space<hbm>> -> memref<2112xf32, #tpu.memory_space<hbm>>
        %dma_start3A_135 = arith.constant 0 : i32
        %dma_start3A_136 = tpu.memref_slice %arg5[%add3A_50, %dma_start3A_135] : memref<256x2112xf32, #tpu.memory_space<hbm>> -> memref<1x2112xf32, #tpu.memory_space<hbm>>
        %dma_start3A_137 = tpu.memref_squeeze %dma_start3A_136 : memref<1x2112xf32, #tpu.memory_space<hbm>> -> memref<2112xf32, #tpu.memory_space<hbm>>
        %dma_start3A_138 = arith.constant 0 : i32
        %dma_start3A_139 = tpu.memref_slice %arg11[%dma_start3A_128, %dma_start3A_138] : memref<2x2112xf32, #tpu.memory_space<vmem>> -> memref<1x2112xf32, #tpu.memory_space<vmem>>
        %dma_start3A_140 = tpu.memref_squeeze %dma_start3A_139 : memref<1x2112xf32, #tpu.memory_space<vmem>> -> memref<2112xf32, #tpu.memory_space<vmem>>
        tpu.enqueue_dma source(%dma_start3A_140 : memref<2112xf32, #tpu.memory_space<vmem>>) target(%dma_start3A_137 : memref<2112xf32, #tpu.memory_space<hbm>>) target_semaphore(%arg15 : memref<!tpu.dma_semaphore, #tpu.memory_space<semaphore_mem>>)
      } else {
      }
      %scan3A_127 = arith.constant 0 : i32
      scf.yield %scan3A_127 : i32
    }
    %scan3A_15 = arith.constant 8 : i32
    %add3A_16 = arith.constant 8 : i32
    %add3A_17 = arith.addi %mul3A_2, %add3A_16 : i32
    %sub3A = arith.constant 2 : i32
    %sub3A_18 = arith.subi %add3A_17, %sub3A : i32
    %dma_wait3A = arith.constant 0 : i32
    %dma_wait3A_19 = arith.constant 0 : i32
    %dma_wait3A_20 = tpu.memref_slice %arg11[%dma_wait3A, %dma_wait3A_19] : memref<2x2112xf32, #tpu.memory_space<vmem>> -> memref<1x2112xf32, #tpu.memory_space<vmem>>
    %dma_wait3A_21 = tpu.memref_squeeze %dma_wait3A_20 : memref<1x2112xf32, #tpu.memory_space<vmem>> -> memref<2112xf32, #tpu.memory_space<vmem>>
    %dma_wait3A_22 = arith.constant 0 : i32
    %dma_wait3A_23 = tpu.memref_slice %arg5[%sub3A_18, %dma_wait3A_22] : memref<256x2112xf32, #tpu.memory_space<hbm>> -> memref<1x2112xf32, #tpu.memory_space<hbm>>
    %dma_wait3A_24 = tpu.memref_squeeze %dma_wait3A_23 : memref<1x2112xf32, #tpu.memory_space<hbm>> -> memref<2112xf32, #tpu.memory_space<hbm>>
    %dma_wait3A_25 = arith.constant 0 : i32
    %dma_wait3A_26 = tpu.memref_slice %arg5[%sub3A_18, %dma_wait3A_25] : memref<256x2112xf32, #tpu.memory_space<hbm>> -> memref<1x2112xf32, #tpu.memory_space<hbm>>
    %dma_wait3A_27 = tpu.memref_squeeze %dma_wait3A_26 : memref<1x2112xf32, #tpu.memory_space<hbm>> -> memref<2112xf32, #tpu.memory_space<hbm>>
    %dma_wait3A_28 = arith.constant 0 : i32
    %dma_wait3A_29 = tpu.memref_slice %arg11[%dma_wait3A, %dma_wait3A_28] : memref<2x2112xf32, #tpu.memory_space<vmem>> -> memref<1x2112xf32, #tpu.memory_space<vmem>>
    %dma_wait3A_30 = tpu.memref_squeeze %dma_wait3A_29 : memref<1x2112xf32, #tpu.memory_space<vmem>> -> memref<2112xf32, #tpu.memory_space<vmem>>
    tpu.wait_dma2 semaphore(%arg14 : memref<!tpu.dma_semaphore, #tpu.memory_space<semaphore_mem>>) src(%dma_wait3A_30 : memref<2112xf32, #tpu.memory_space<vmem>>) dst(%dma_wait3A_27 : memref<2112xf32, #tpu.memory_space<hbm>>)
    %add3A_31 = arith.constant 8 : i32
    %add3A_32 = arith.addi %mul3A_2, %add3A_31 : i32
    %sub3A_33 = arith.constant 1 : i32
    %sub3A_34 = arith.subi %add3A_32, %sub3A_33 : i32
    %dma_wait3A_35 = arith.constant 1 : i32
    %dma_wait3A_36 = arith.constant 0 : i32
    %dma_wait3A_37 = tpu.memref_slice %arg11[%dma_wait3A_35, %dma_wait3A_36] : memref<2x2112xf32, #tpu.memory_space<vmem>> -> memref<1x2112xf32, #tpu.memory_space<vmem>>
    %dma_wait3A_38 = tpu.memref_squeeze %dma_wait3A_37 : memref<1x2112xf32, #tpu.memory_space<vmem>> -> memref<2112xf32, #tpu.memory_space<vmem>>
    %dma_wait3A_39 = arith.constant 0 : i32
    %dma_wait3A_40 = tpu.memref_slice %arg5[%sub3A_34, %dma_wait3A_39] : memref<256x2112xf32, #tpu.memory_space<hbm>> -> memref<1x2112xf32, #tpu.memory_space<hbm>>
    %dma_wait3A_41 = tpu.memref_squeeze %dma_wait3A_40 : memref<1x2112xf32, #tpu.memory_space<hbm>> -> memref<2112xf32, #tpu.memory_space<hbm>>
    %dma_wait3A_42 = arith.constant 0 : i32
    %dma_wait3A_43 = tpu.memref_slice %arg5[%sub3A_34, %dma_wait3A_42] : memref<256x2112xf32, #tpu.memory_space<hbm>> -> memref<1x2112xf32, #tpu.memory_space<hbm>>
    %dma_wait3A_44 = tpu.memref_squeeze %dma_wait3A_43 : memref<1x2112xf32, #tpu.memory_space<hbm>> -> memref<2112xf32, #tpu.memory_space<hbm>>
    %dma_wait3A_45 = arith.constant 0 : i32
    %dma_wait3A_46 = tpu.memref_slice %arg11[%dma_wait3A_35, %dma_wait3A_45] : memref<2x2112xf32, #tpu.memory_space<vmem>> -> memref<1x2112xf32, #tpu.memory_space<vmem>>
    %dma_wait3A_47 = tpu.memref_squeeze %dma_wait3A_46 : memref<1x2112xf32, #tpu.memory_space<vmem>> -> memref<2112xf32, #tpu.memory_space<vmem>>
    tpu.wait_dma2 semaphore(%arg15 : memref<!tpu.dma_semaphore, #tpu.memory_space<semaphore_mem>>) src(%dma_wait3A_47 : memref<2112xf32, #tpu.memory_space<vmem>>) dst(%dma_wait3A_44 : memref<2112xf32, #tpu.memory_space<hbm>>)
    return
  }
}

module attributes {stable_mosaic.version = 14 : i64} {
  func.func @_finish_body(%arg0: memref<256x256xf32, #tpu.memory_space<vmem>>, %arg1: memref<256x2112xf32, #tpu.memory_space<vmem>>, %arg2: memref<1x1xf32, #tpu.memory_space<smem>>) attributes {dimension_semantics = [], scalar_prefetch = 0 : i64, scratch_operands = 0 : i64, tpu.core_type = #tpu.core_type<tc>} {
    %get3A = arith.constant 0 : index
    %get3A_0 = arith.constant 0 : index
    %get3A_1 = vector.load %arg0[%get3A, %get3A_0] : memref<256x256xf32, #tpu.memory_space<vmem>>, vector<256x256xf32>
    %get3A_2 = arith.constant 0 : index
    %get3A_3 = arith.constant 0 : index
    %get3A_4 = vector.load %arg1[%get3A_2, %get3A_3] : memref<256x2112xf32, #tpu.memory_space<vmem>>, vector<256x2112xf32>
    %mul3A = arith.mulf %get3A_1, %get3A_1 : vector<256x256xf32>
    %reduce_sum3A = arith.constant dense<0.000000e+00> : vector<256xf32>
    %reduce_sum3A_5 = vector.multi_reduction <add>, %mul3A, %reduce_sum3A [1] : vector<256x256xf32> to vector<256xf32>
    %broadcast_in_dim3A = vector.shape_cast %reduce_sum3A_5 : vector<256xf32> to vector<256x1xf32>
    %sqrt3A = math.sqrt %broadcast_in_dim3A : vector<256x1xf32>
    %max3A = arith.constant 9.99999996E-13 : f32
    %max3A_6 = vector.broadcast %max3A : f32 to vector<256x1xf32>
    %max3A_7 = arith.maximumf %sqrt3A, %max3A_6 : vector<256x1xf32>
    %mul3A_8 = arith.constant 7.000000e-02 : f32
    %mul3A_9 = vector.broadcast %mul3A_8 : f32 to vector<256x1xf32>
    %mul3A_10 = arith.mulf %max3A_7, %mul3A_9 : vector<256x1xf32>
    %div3A = arith.constant 1.000000e+00 : f32
    %div3A_11 = vector.broadcast %div3A : f32 to vector<256x1xf32>
    %div3A_12 = arith.divf %div3A_11, %mul3A_10 : vector<256x1xf32>
    %mul3A_13 = vector.broadcast %div3A_12 : vector<256x1xf32> to vector<256x2112xf32>
    %mul3A_14 = arith.mulf %get3A_4, %mul3A_13 : vector<256x2112xf32>
    %iota3A = tpu.iota {dimensions = array<i32: 1>} : vector<256x2112xi32>
    %lt3A = arith.constant 2049 : i32
    %lt3A_15 = vector.broadcast %lt3A : i32 to vector<256x2112xi32>
    %lt3A_16 = arith.cmpi slt, %iota3A, %lt3A_15 : vector<256x2112xi32>
    %jit3A = arith.constant 0xFF800000 : f32
    %broadcast_in_dim3A_17 = vector.broadcast %jit3A : f32 to vector<256x2112xf32>
    %select_n3A = arith.select %lt3A_16, %mul3A_14, %broadcast_in_dim3A_17 : vector<256x2112xi1>, vector<256x2112xf32>
    %reduce_max3A = arith.constant dense<0xFF800000> : vector<256xf32>
    %reduce_max3A_18 = vector.multi_reduction <maximumf>, %select_n3A, %reduce_max3A [1] : vector<256x2112xf32> to vector<256xf32>
    %broadcast_in_dim3A_19 = vector.shape_cast %reduce_max3A_18 : vector<256xf32> to vector<256x1xf32>
    %sub3A = vector.broadcast %broadcast_in_dim3A_19 : vector<256x1xf32> to vector<256x2112xf32>
    %sub3A_20 = arith.subf %select_n3A, %sub3A : vector<256x2112xf32>
    %exp3A = math.exp %sub3A_20 : vector<256x2112xf32>
    %jit3A_21 = arith.constant 0.000000e+00 : f32
    %broadcast_in_dim3A_22 = vector.broadcast %jit3A_21 : f32 to vector<256x2112xf32>
    %select_n3A_23 = arith.select %lt3A_16, %exp3A, %broadcast_in_dim3A_22 : vector<256x2112xi1>, vector<256x2112xf32>
    %reduce_sum3A_24 = arith.constant dense<0.000000e+00> : vector<256xf32>
    %reduce_sum3A_25 = vector.multi_reduction <add>, %select_n3A_23, %reduce_sum3A_24 [1] : vector<256x2112xf32> to vector<256xf32>
    %broadcast_in_dim3A_26 = vector.shape_cast %reduce_sum3A_25 : vector<256xf32> to vector<256x1xf32>
    %log3A = math.log %broadcast_in_dim3A_26 : vector<256x1xf32>
    %add3A = arith.addf %log3A, %broadcast_in_dim3A_19 : vector<256x1xf32>
    %slice3A = vector.extract_strided_slice %mul3A_14 {offsets = [0, 0], sizes = [256, 1], strides = [1, 1]} : vector<256x2112xf32> to vector<256x1xf32>
    %sub3A_27 = arith.subf %add3A, %slice3A : vector<256x1xf32>
    %reduce_sum3A_28 = vector.shape_cast %sub3A_27 : vector<256x1xf32> to vector<1x256x1xf32>
    %reduce_sum3A_29 = arith.constant dense<0.000000e+00> : vector<1xf32>
    %reduce_sum3A_30 = vector.multi_reduction <add>, %reduce_sum3A_28, %reduce_sum3A_29 [1, 2] : vector<1x256x1xf32> to vector<1xf32>
    %reduce_sum3A_31 = vector.shape_cast %reduce_sum3A_30 : vector<1xf32> to vector<1x1x1xf32>
    %reduce_sum3A_32 = vector.extract %reduce_sum3A_31[0, 0, 0] : f32 from vector<1x1x1xf32>
    %div3A_33 = arith.constant 2.560000e+02 : f32
    %div3A_34 = arith.divf %reduce_sum3A_32, %div3A_33 : f32
    %swap3A = arith.constant 0 : index
    %swap3A_35 = arith.constant 0 : index
    %swap3A_36 = memref.load %arg2[%swap3A, %swap3A_35] : memref<1x1xf32, #tpu.memory_space<smem>>
    memref.store %div3A_34, %arg2[%swap3A, %swap3A_35] : memref<1x1xf32, #tpu.memory_space<smem>>
    return
  }
}

</mosaic_0001>

<sc_bundles>
// kernel: kernel.4.cloned.1.call-start
scs
__scs_entry_jumppad:
0x0: {  	(pc) =	sbr.rel $0x88, $3  }
0x1: {  	(tag) =	ssettag $0x0;
	lr =	simm.s32 $0x1  }
0x2: {  	[smem:$0x3F9D] =	sst lr;
	_ =	strace $0xD0000000  }
0x3: {  	_ = 	snop  }
0x4: {  	_ = 	snop  }
0x5: {  	_ = 	snop  }
0x6: {  	_ = 	snop  }
0x7: {  	_ = 	snop  }
__scs_overlays_trampoline_lowered:
0x8: {  	[smem:$0x3FAC] =	sst s0  }
0x9: {  	[smem:$0x3FAD] =	sst s1  }
0xa: {  	[smem:$0x3FAE] =	sst s2  }
0xb: {  	[smem:$0x3FAF] =	sst s3  }
0xc: {  	[smem:$0x3FB0] =	sst s4  }
0xd: {  	[smem:$0x3FB1] =	sst s5  }
0xe: {  	[smem:$0x3FB2] =	sst s6  }
0xf: {  	[smem:$0x3FB3] =	sst s7  }
0x10: {  	[smem:$0x3FB4] =	sst s8  }
0x11: {  	[smem:$0x3FB5] =	sst s9;
	s0 =	simm.s32 @!p0 $0x0  }
0x12: {  	s1 =	sld [smem:$0x3F9B];
	s0 =	simm.s32 @p0 $0x1  }
0x13: {  	[smem:$0x3FB6] =	sst s0;
	s0 =	simm.s32 @!p1 $0x0  }
0x14: {  	s2 =	sld [smem:$0x3F9A];
	s0 =	simm.s32 @p1 $0x1  }
0x15: {  	[smem:$0x3FB7] =	sst s0;
	s0 =	simm.s32 @!p2 $0x0  }
0x16: {  	s3 =	sld [smem:$0x3FDB];
	s0 =	simm.s32 @p2 $0x1  }
0x17: {  	s4 =	simm.s32 $0x1BF5;
	[smem:$0x3FB9] =	sst s0  }
0x18: {  	s0 =	sld [smem:$0x3F9C];
	_ =	swait.ge [sflag:s4], $0x0  }
0x19: {  	s7 =	sld [smem:$0x3F9D]  }
0x1a: {  	s8 =	sadd.s32 $0xFFFFE003, lr  }
0x1b: {  	s9 =	sadd.s32 $0xFFFFFEF7, lr;
	s5 =	simm.s32 $0xFFFFFFFF;
	p2 =	slt.u32 s8, $0xFFFFF086  }
0x1c: {  	p1 =	slt.u32 s9, $0xF7A;
	s5 =	simm.s32 @!p2 $0x0  }
0x1d: {  	s5 =	simm.s32 @p1 $0x1;
	p0 =	seq.s32 s7, s2  }
0x1e: {  	s7 =	smul.u32 @!p0 $0xF7A, s2;
	p2 =	seq.s32 @!p0 s5, $0x0  }
0x1f: {  	s9 =	smul.u32 $0xF7A, s1;
	s8 =	simm.s32 @!p0 $0x1BF5;
	p2 =	por !p2, p0  }
0x20: {  	[sflag:s8] =	ssyncset.s32 @!p0 $0xFFFFF086;
	s6 =	sadd.s32 @!p0 s3, s7;
	s7 =	simm.s32 @!p0 $0x108  }
0x21: {  	s3 =	sadd.s32 s3, s9;
	s6 =	sadd.s32 @!p0 $0x88, s6;
	s7 =	simm.s32 @p2 $0x1082  }
0x22: {  	[simem:s7], [sflag:s8] =	dma.local @!p0 [hbm:s6], $0xF7A  }
0x23: {  	s9 =	sor.u32 $0xD0000000, s2;
	s6 =	simm.s32 $0x108;
	_ =	swait.ge @!p0 [sflag:s8], $0x0  }
0x24: {  	s3 =	sadd.s32 $0x88, s3;
	s6 =	simm.s32 @!p1 $0x1082;
	[sflag:s4] =	ssyncset.s32 $0xFFFFF086  }
0x25: {  	[simem:s6], [sflag:s4] =	dma.local [hbm:s3], $0xF7A  }
0x26: {  	[smem:$0x3F9D] =	sst s1;
	(tag) =	ssettag s2;
	_ =	strace s9  }
0x27: {  	s1 =	sld [smem:$0x3FAD]  }
0x28: {  	s2 =	sld [smem:$0x3FAE]  }
0x29: {  	s4 =	sld [smem:$0x3FB0]  }
0x2a: {  	p0 =	seq.s32 s5, $0x0;
	s5 =	sld [smem:$0x3FB1]  }
0x2b: {  	s6 =	sld [smem:$0x3FB2]  }
0x2c: {  	s7 =	sld [smem:$0x3FB3]  }
0x2d: {  	s3 =	simm.s32 $0x108;
	s8 =	sld [smem:$0x3FB4]  }
0x2e: {  	s3 =	simm.s32 @!p0 $0x1082;
	s9 =	sld [smem:$0x3FB5]  }
0x2f: {  	lr =	sadd.s32 s0, s3;
	s0 =	sld [smem:$0x3FAC]  }
0x30: {  	s3 =	sld [smem:$0x3FAF]  }
0x31: {  	[smem:$0x3FB8] =	sst s10  }
0x32: {  	s10 =	sld [smem:$0x3FB6];
	_ =	sdelay $0x3  }
0x33: {  	p0 =	seq.s32 s10, $0x1;
	s10 =	sld [smem:$0x3FB8];
	_ =	sdelay $0x3  }
0x34: {  	[smem:$0x3FB8] =	sst s10  }
0x35: {  	s10 =	sld [smem:$0x3FB7];
	_ =	sdelay $0x3  }
0x36: {  	p1 =	seq.s32 s10, $0x1;
	s10 =	sld [smem:$0x3FB8];
	_ =	sdelay $0x3  }
0x37: {  	[smem:$0x3FB8] =	sst s10  }
0x38: {  	s10 =	sld [smem:$0x3FB9]  }
0x39: {  	_ = 	snop;
	(pc) =	sbr.ind lr, $3  }
0x3a: {  	_ = 	snop  }
0x3b: {  	_ = 	snop  }
0x3c: {  	p2 =	seq.s32 s10, $0x1;
	s10 =	sld [smem:$0x3FB8]  }
0x3d: {  	_ =	shalt  }
0x3e: {  	_ =	shalt  }
0x3f: {  	_ =	shalt  }
0x40: {  	_ =	shalt  }
0x41: {  	_ =	shalt  }
0x42: {  	_ =	shalt  }
0x43: {  	_ =	shalt  }
0x44: {  	_ =	shalt  }
0x45: {  	_ =	shalt  }
0x46: {  	_ =	shalt  }
0x47: {  	_ =	shalt  }
0x48: {  	_ =	shalt  }
0x49: {  	_ =	shalt  }
0x4a: {  	_ =	shalt  }
0x4b: {  	_ =	shalt  }
0x4c: {  	_ =	shalt  }
0x4d: {  	_ =	shalt  }
0x4e: {  	_ =	shalt  }
0x4f: {  	_ =	shalt  }
0x50: {  	_ =	shalt  }
0x51: {  	_ =	shalt  }
0x52: {  	_ =	shalt  }
0x53: {  	_ =	shalt  }
0x54: {  	_ =	shalt  }
0x55: {  	_ =	shalt  }
0x56: {  	_ =	shalt  }
0x57: {  	_ =	shalt  }
0x58: {  	_ =	shalt  }
0x59: {  	_ =	shalt  }
0x5a: {  	_ =	shalt  }
0x5b: {  	_ =	shalt  }
0x5c: {  	_ =	shalt  }
0x5d: {  	_ =	shalt  }
0x5e: {  	_ =	shalt  }
0x5f: {  	_ =	shalt  }
0x60: {  	_ =	shalt  }
0x61: {  	_ =	shalt  }
0x62: {  	_ =	shalt  }
0x63: {  	_ =	shalt  }
0x64: {  	_ =	shalt  }
0x65: {  	_ =	shalt  }
0x66: {  	_ =	shalt  }
0x67: {  	_ =	shalt  }
0x68: {  	_ =	shalt  }
0x69: {  	_ =	shalt  }
0x6a: {  	_ =	shalt  }
0x6b: {  	_ =	shalt  }
0x6c: {  	_ =	shalt  }
0x6d: {  	_ =	shalt  }
0x6e: {  	_ =	shalt  }
0x6f: {  	_ =	shalt  }
0x70: {  	_ =	shalt  }
0x71: {  	_ =	shalt  }
0x72: {  	_ =	shalt  }
0x73: {  	_ =	shalt  }
0x74: {  	_ =	shalt  }
0x75: {  	_ =	shalt  }
0x76: {  	_ =	shalt  }
0x77: {  	_ =	shalt  }
0x78: {  	_ =	shalt  }
0x79: {  	_ =	shalt  }
0x7a: {  	_ =	shalt  }
0x7b: {  	_ =	shalt  }
0x7c: {  	_ =	shalt  }
0x7d: {  	_ =	shalt  }
0x7e: {  	_ =	shalt  }
0x7f: {  	_ =	shalt  }
0x80: {  	_ =	shalt  }
0x81: {  	_ =	shalt  }
0x82: {  	_ =	shalt  }
0x83: {  	_ =	shalt  }
0x84: {  	_ =	shalt  }
0x85: {  	_ =	shalt  }
0x86: {  	_ =	shalt  }
0x87: {  	_ =	shalt  }
.Lfunc_end0:
.L_simem_size_0:
called_computation_lowered:
.L_overlay_start_0:
0x88: {  	s2 =	sld [smem:$0x3FD9]  }
0x89: {  	s3 =	sld [smem:$0x3FFE];
	_ =	sdelay $0x1  }
0x8a: {  	s1 =	srdreg.scid  }
0x8b: {  	s0 =	sand.u32 $0x1, s1  }
0x8c: {  	s17 =	sshll.u32 s0, $0xA;
	s2 =	sadd.s32 s3, s2  }
0x8d: {  	s2 =	sadd.s32 s2, s17  }
0x8e: {  	[smem:$0x3FC4] =	sst s2  }
0x8f: {  	_ = 	snop  }
0x90: {  	s2 =	sld [smem:$0x3FC9]  }
0x91: {  	s18 =	sld [smem:$0x3FC6];
	(tm) =	ssettm $0x1  }
0x92: {  	s4 =	sld [smem:$0x3FFB];
	_ =	sdelay $0x3  }
0x93: {  	_ =	strace s4  }
0x94: {  	s4 =	sld [smem:$0x3FFC];
	_ =	sdelay $0x3  }
0x95: {  	_ =	strace s4  }
0x96: {  	s4 =	sld [smem:$0x3FFD];
	_ =	sdelay $0x3  }
0x97: {  	_ =	strace s4  }
0x98: {  	_ =	strace $0x8FFFFFFF  }
0x99: {  	s19 =	sld [smem:$0x3FDB];
	_ =	sdelay $0x1  }
0x9a: {  	s5 =	simm.s32 $_scs_section_size  }
0x9b: {  	s6 =	simm.s32 $_size__tile_overlayer_lowered;
	s7 =	simm.s32 $_tile_overlayer_lowered  }
0x9c: {  	s22 =	simm.s32 $0x1BFF;
	s21 =	sshll.u32 s7, $0x1;
	s4 =	sadd.s32 s5, s19  }
0x9d: {  	s8 =	simm.s32 $0x0;
	s20 =	sshll.u32 s6, $0x1;
	s6 =	sadd.s32 s21, s4  }
0x9e: {  	[timem:s8], [sflag:s22] =	dma.local [hbm:s6], s20  }
0x9f: {  	_ =	swait.ge [sflag:s22], s20  }
0xa0: {  	s5 =	ssub.s32 $0x0, s20;
	[sflag:s22] =	ssyncset.done $0x0  }
0xa1: {  	[sflag:s22] =	ssyncadd.s32 s5;
	_ =	sdelay $0x1  }
0xa2: {  	s23 =	simm.s32 $0x1B8B  }
0xa3: {  	_ =	swait.ge [sflag:s23], $0x1  }
0xa4: {  	[sflag:s23] =	ssyncset.done $0x0  }
0xa5: {  	s25 =	simm.s32 $0x1B8E;
	s24 =	sld [smem:$0x3FFE];
	[sflag:s23] =	ssyncadd.s32 $0xFFFFFFFF  }
0xa6: {  	s26 =	simm.s32 $execute0_lowered;
	[smem:$0x3FD2] =	sst s25  }
0xa7: {  	s6 =	sshll.u32 s26, $0x1;
	_ =	strace $0x80000046;
	[dreg:$0x1] =	wrdreg $0xFFFFFFFF  }
0xa8: {  	s28 =	simm.s32 $_size_execute0_lowered;
	s4 =	sadd.s32 s4, s6;
	[dreg:$0x0] =	wrdreg $0x0  }
0xa9: {  	s6 =	sshll.u32 s28, $0x1;
	[dreg:$0x2] =	wrdreg s4  }
0xaa: {  	[dreg:$0x3] =	wrdreg s6  }
0xab: {  	[dreg:$0x4] =	wrdreg $0xC0  }
0xac: {  	_ =	task [dreg:s8], $0x5FFFF  }
0xad: {  	[dreg:$0x1] =	wrdreg $0xFFFFFFFF  }
0xae: {  	[dreg:$0x0] =	wrdreg $0x60  }
0xaf: {  	[dreg:$0x2] =	wrdreg s2  }
0xb0: {  	[dreg:$0x3] =	wrdreg s24  }
0xb1: {  	[dreg:$0x4] =	wrdreg s18  }
0xb2: {  	[dreg:$0x5] =	wrdreg $0x9  }
0xb3: {  	_ =	task.clear_ibuf [dreg:s8], $0x6FFFF;
	_ =	strace $0x90000046  }
0xb4: {  	s29 =	simm.s32 $0x9;
	_ =	strace $0x80000048  }
0xb5: {  	_ =	swait.ge [sflag:s29], $0x1  }
0xb6: {  	[sflag:s29] =	ssyncadd.s32 $0xFFFFFFFF  }
0xb7: {  	_ =	strace $0x90000048  }
0xb8: {  	_ =	sfence  }
0xb9: {  	s30 =	sld [smem:$0x0];
	_ =	sdelay $0x2  }
0xba: {  	s31 =	sshll.u32 s1, $0xD;
	s1 =	sshrl.u32 s1, $0x2  }
0xbb: {  	s3 =	sand.u32 $0x4000, s31;
	s1 =	sadd.s32 s1, s30  }
0xbc: {  	s0 =	sor.u32 s3, s0;
	s1 =	sshll.u32 s1, $0x11  }
0xbd: {  	s0 =	sor.u32 s1, s0  }
0xbe: {  	s0 =	sadd.s32 $0x8F2B, s0  }
0xbf: {  	[sflag:s0] =	ssyncadd.remote.s32 $0x1  }
0xc0: {  	_ =	sfence.sel $0xFFFF  }
0xc1: {  	[dreg:$0x0] =	wrdreg $0xFFFFFFFF;
	(pc) =	sbr.abs _section_cstart, $3  }
0xc2: {  	[dreg:$0x1] =	wrdreg $0xFFFFFFFF  }
0xc3: {  	_ =	task.clear_ibuf [dreg:s8], $0x2FFFF;
	_ =	strace $0x9FFFFFFF  }
0xc4: {  	(tm) =	ssettm $0x7FFFFFFF  }
0xc5: {  	_ =	shalt  }
tec
execute0_lowered:
.L_overlay_start_1:
0x0: {  	(tag) =	ssettag $0x1  }
0x1: {  	s0 =	srdreg.scid  }
0x2: {  	s1 =	rddreg [dreg:$0x0];
	s2 =	stileid.u32;
	s0 =	sand.u32 $0x1, s0  }
0x3: {  	s4 =	rddreg [dreg:$0x1];
	s3 =	sshll.u32 s2, $0x4;
	s5 =	sshll.u32 s0, $0x3  }
0x4: {  	s2 =	rddreg [dreg:$0x2];
	s0 =	ssub.s32 $0x2, s0;
	s5 =	sor.u32 s5, s3  }
0x5: {  	s3 =	simm.s32 $0x0;
	s7 =	sshrl.u32 s0, $0x1;
	s6 =	smul.u32 $0x180, s5  }
0x6: {  	[smem:$0x7FF] =	sst s3;
	s0 =	ssub.s32 s0, s7;
	s20 =	sshll.u32 s5, $0x5  }
0x7: {  	s22 =	sshrl.u32 s5, $0x3;
	_ =	strace $0x80000047;
	s1 =	sadd.s32 s1, s20  }
0x8: {  	s0 =	smax.u32 s0, $0x1;
	s6 =	sadd.s32 s6, s4;
	[dreg:$0x5] =	wrdreg s1  }
0x9: {  	s4 =	sadd.s32 $0x18A00, s4;
	s1 =	smul.u32 $0x4400, s22;
	[dreg:$0x8] =	wrdreg s0  }
0xa: {  	[dreg:$0x4] =	wrdreg s4  }
0xb: {  	s13 =	simm.s32 $0x10000;
	s21 =	sadd.s32 $0xA00, s6;
	[dreg:$0x7] =	wrdreg s1  }
0xc: {  	v0 =	vlaneseq.u32;
	s15 =	simm.s32 $0x10800;
	s23 =	sadd.s32 $0x180, s21;
	[dreg:$0x6] =	wrdreg s21  }
0xd: {  	vm0 =	vmmov $0xffff;
	s17 =	simm.s32 $0x11000;
	v3 =	vshrl.u32 v0, $0x3;
	v2 =	vmul.u32 $0x11, v0;
	s24 =	sadd.s32 $0x300, s21;
	[dreg:$0x9] =	wrdreg s23  }
0xe: {  	s19 =	simm.s32 $0x11800;
	v1 =	vand.u32 $0x7, v0;
	v4 =	vor.u32 $0x8, v0;
	v3 =	vmul.u32 $0x8, v3;
	s25 =	sadd.s32 $0x480, s21;
	[dreg:$0xa] =	wrdreg s24  }
0xf: {  	s9 =	simm.s32 $0x2;
	v5 =	vadd.s32 $0x1, v2;
	v6 =	vadd.s32 $0x2, v2;
	v7 =	vadd.s32 $0x3, v2;
	s26 =	sadd.s32 $0x600, s21;
	[dreg:$0xb] =	wrdreg s25  }
0x10: {  	s29 =	simm.s32 $0x0;
	v8 =	vadd.s32 $0x4, v2;
	v9 =	vadd.s32 $0x5, v2;
	v10 =	vadd.s32 $0x6, v2;
	s28 =	sadd.s32 $0x780, s21;
	[dreg:$0xc] =	wrdreg s26  }
0x11: {  	v11 =	vadd.s32 $0x7, v2;
	v12 =	vadd.s32 $0x8, v2;
	v13 =	vadd.s32 $0x9, v2;
	s6 =	simm.s32 $0x12800;
	s30 =	sadd.s32 $0x900, s21;
	[dreg:$0xd] =	wrdreg s28  }
0x12: {  	v14 =	vadd.s32 $0xA, v2;
	v15 =	vadd.s32 $0xB, v2;
	v16 =	vadd.s32 $0xC, v2;
	s4 =	simm.s32 $0x0;
	s31 =	sadd.s32 $0xA80, s21;
	[dreg:$0xe] =	wrdreg s30  }
0x13: {  	v17 =	vadd.s32 $0xD, v2;
	v18 =	vadd.s32 $0xE, v2;
	v19 =	vadd.s32 $0xF, v2;
	s21 =	simm.s32 $0x12000;
	[dreg:$0xf] =	wrdreg s31;
	s23 =	simm.s32 $0x1  }
.LBB2_1:
0x14: {  	[dreg:$0x10] =	wrdreg s4  }
0x15: {  	s0 =	rddreg [dreg:$0x5];
	s1 =	simm.s32 $0x5  }
0x16: {  	[tilespmem:s3], [sflag:$0x5] =	stream.linear.gather [hbm4b:s0+s3], $0x800, $0x38;
	[tilespmem:$0x13B80] =	vst v63  }
0x17: {  	_ =	swait.ge [sflag:s1], $0x800  }
0x18: {  	[sflag:s1] =	ssyncset.done $0x0  }
0x19: {  	s18 =	simm.s32 $0x800;
	s16 =	rddreg [dreg:$0x6];
	[sflag:s1] =	ssyncadd.s32 $0xFFFFF800  }
0x1a: {  	[tilespmem:s18], [sflag:$0x5] =	stream.linear.gather [hbm4b:s16+s3], $0xB00, $0x38;
	[tilespmem:$0x13B80] =	vst v63  }
0x1b: {  	s22 =	simm.s32 $0x1400;
	s20 =	rddreg [dreg:$0x9]  }
0x1c: {  	[tilespmem:s22], [sflag:$0x5] =	stream.linear.gather [hbm4b:s20+s3], $0xB00, $0x38;
	[tilespmem:$0x13B80] =	vst v63  }
0x1d: {  	s25 =	simm.s32 $0x2000;
	s24 =	rddreg [dreg:$0xa]  }
0x1e: {  	[tilespmem:s25], [sflag:$0x5] =	stream.linear.gather [hbm4b:s24+s3], $0xB00, $0x38;
	[tilespmem:$0x13B80] =	vst v63  }
0x1f: {  	s28 =	simm.s32 $0x2C00;
	s26 =	rddreg [dreg:$0xb]  }
0x20: {  	[tilespmem:s28], [sflag:$0x5] =	stream.linear.gather [hbm4b:s26+s3], $0xB00, $0x38;
	[tilespmem:$0x13B80] =	vst v63  }
0x21: {  	s31 =	simm.s32 $0x3800;
	s30 =	rddreg [dreg:$0xc]  }
0x22: {  	[tilespmem:s31], [sflag:$0x5] =	stream.linear.gather [hbm4b:s30+s3], $0xB00, $0x38;
	[tilespmem:$0x13B80] =	vst v63  }
0x23: {  	s5 =	simm.s32 $0x4400;
	s4 =	rddreg [dreg:$0xd]  }
0x24: {  	[tilespmem:s5], [sflag:$0x5] =	stream.linear.gather [hbm4b:s4+s3], $0xB00, $0x38;
	[tilespmem:$0x13B80] =	vst v63  }
0x25: {  	s8 =	simm.s32 $0x5000;
	s7 =	rddreg [dreg:$0xe]  }
0x26: {  	[tilespmem:s8], [sflag:$0x5] =	stream.linear.gather [hbm4b:s7+s3], $0xB00, $0x38;
	[tilespmem:$0x13B80] =	vst v63  }
0x27: {  	s11 =	simm.s32 $0x5C00;
	s10 =	rddreg [dreg:$0xf]  }
0x28: {  	[tilespmem:s11], [sflag:$0x5] =	stream.linear.gather [hbm4b:s10+s3], $0xB00, $0x38;
	[tilespmem:$0x13B80] =	vst v63  }
0x29: {  	_ =	swait.ge [sflag:s1], $0x5800  }
0x2a: {  	[sflag:s1] =	ssyncset.done $0x0  }
0x2b: {  	[sflag:s1] =	ssyncadd.s32 $0xFFFFA800  }
0x2c: {  	v20 =	vld [tilespmem:$0x800];
	_ =	sdelay $0x4  }
0x2d: {  	v21 =	vshll.u32 v20, $0x1  }
0x2e: {  	v20 =	vand.u32 $0x7, v20;
	v21 =	vand.u32 $0xFFFFFFF0, v21  }
0x2f: {  	v20 =	vor.u32 v20, v21  }
0x30: {  	v21 =	vperm.xlane v20, v1;
	_ =	sdelay $0x1  }
0x31: {  	v20 =	vperm.xlane v20, v4;
	v21 =	vadd.s32 v3, v21;
	_ =	sdelay $0x1  }
0x32: {  	v20 =	vadd.s32 v3, v20;
	_ =	sdelay $0x1  }
0x33: {  	s12 =	simm.s32 $0x6800  }
0x34: {  	[tilespmem:s12], [sflag:$0x1] =	stream.indirect_vreg.gather [hbm4b:s2+s3], $0x80, v21, vm0, $0xb8;
	[tilespmem:$0x13B80] =	vst v63  }
0x35: {  	s14 =	simm.s32 $0x7000  }
0x36: {  	[tilespmem:s14], [sflag:$0x1] =	stream.indirect_vreg.gather [hbm4b:s2+s3], $0x80, v20, vm0, $0xb8;
	[tilespmem:$0x13B80] =	vst v63  }
0x37: {  	v20 =	vld [tilespmem:$0x810];
	_ =	sdelay $0x4  }
0x38: {  	v59 =	vshll.u32 v20, $0x1  }
0x39: {  	v20 =	vand.u32 $0x7, v20;
	v21 =	vand.u32 $0xFFFFFFF0, v59  }
0x3a: {  	v20 =	vor.u32 v20, v21  }
0x3b: {  	v21 =	vperm.xlane v20, v1;
	_ =	sdelay $0x1  }
0x3c: {  	v20 =	vperm.xlane v20, v4;
	v21 =	vadd.s32 v3, v21;
	_ =	sdelay $0x1  }
0x3d: {  	v20 =	vadd.s32 v3, v20;
	_ =	sdelay $0x1  }
0x3e: {  	s16 =	simm.s32 $0x7800  }
0x3f: {  	[tilespmem:s16], [sflag:$0x1] =	stream.indirect_vreg.gather [hbm4b:s2+s3], $0x80, v21, vm0, $0xb8;
	[tilespmem:$0x13B80] =	vst v63  }
0x40: {  	s18 =	simm.s32 $0x8000  }
0x41: {  	[tilespmem:s18], [sflag:$0x1] =	stream.indirect_vreg.gather [hbm4b:s2+s3], $0x80, v20, vm0, $0xb8;
	[tilespmem:$0x13B80] =	vst v63  }
0x42: {  	v20 =	vld [tilespmem:$0x820];
	_ =	sdelay $0x4  }
0x43: {  	v60 =	vshll.u32 v20, $0x1  }
0x44: {  	v20 =	vand.u32 $0x7, v20;
	v21 =	vand.u32 $0xFFFFFFF0, v60  }
0x45: {  	v20 =	vor.u32 v20, v21  }
0x46: {  	v21 =	vperm.xlane v20, v1;
	_ =	sdelay $0x1  }
0x47: {  	v20 =	vperm.xlane v20, v4;
	v21 =	vadd.s32 v3, v21;
	_ =	sdelay $0x1  }
0x48: {  	v20 =	vadd.s32 v3, v20;
	_ =	sdelay $0x1  }
0x49: {  	s20 =	simm.s32 $0x8800  }
0x4a: {  	[tilespmem:s20], [sflag:$0x1] =	stream.indirect_vreg.gather [hbm4b:s2+s3], $0x80, v21, vm0, $0xb8;
	[tilespmem:$0x13B80] =	vst v63  }
0x4b: {  	s22 =	simm.s32 $0x9000  }
0x4c: {  	[tilespmem:s22], [sflag:$0x1] =	stream.indirect_vreg.gather [hbm4b:s2+s3], $0x80, v20, vm0, $0xb8;
	[tilespmem:$0x13B80] =	vst v63  }
0x4d: {  	v20 =	vld [tilespmem:$0x830];
	_ =	sdelay $0x4  }
0x4e: {  	v61 =	vshll.u32 v20, $0x1  }
0x4f: {  	v20 =	vand.u32 $0x7, v20;
	v21 =	vand.u32 $0xFFFFFFF0, v61  }
0x50: {  	v20 =	vor.u32 v20, v21  }
0x51: {  	v21 =	vperm.xlane v20, v1;
	_ =	sdelay $0x1  }
0x52: {  	v20 =	vperm.xlane v20, v4;
	v21 =	vadd.s32 v3, v21;
	_ =	sdelay $0x1  }
0x53: {  	v20 =	vadd.s32 v3, v20;
	_ =	sdelay $0x1  }
0x54: {  	s24 =	simm.s32 $0x9800  }
0x55: {  	[tilespmem:s24], [sflag:$0x1] =	stream.indirect_vreg.gather [hbm4b:s2+s3], $0x80, v21, vm0, $0xb8;
	[tilespmem:$0x13B80] =	vst v63  }
0x56: {  	s25 =	simm.s32 $0xA000  }
0x57: {  	[tilespmem:s25], [sflag:$0x1] =	stream.indirect_vreg.gather [hbm4b:s2+s3], $0x80, v20, vm0, $0xb8;
	[tilespmem:$0x13B80] =	vst v63  }
0x58: {  	v20 =	vld [tilespmem:$0x840];
	_ =	sdelay $0x4  }
0x59: {  	v62 =	vshll.u32 v20, $0x1  }
0x5a: {  	v20 =	vand.u32 $0x7, v20;
	v21 =	vand.u32 $0xFFFFFFF0, v62  }
0x5b: {  	v20 =	vor.u32 v20, v21  }
0x5c: {  	v21 =	vperm.xlane v20, v1;
	_ =	sdelay $0x1  }
0x5d: {  	v20 =	vperm.xlane v20, v4;
	v21 =	vadd.s32 v3, v21;
	_ =	sdelay $0x1  }
0x5e: {  	v20 =	vadd.s32 v3, v20;
	_ =	sdelay $0x1  }
0x5f: {  	s26 =	simm.s32 $0xA800  }
0x60: {  	[tilespmem:s26], [sflag:$0x1] =	stream.indirect_vreg.gather [hbm4b:s2+s3], $0x80, v21, vm0, $0xb8;
	[tilespmem:$0x13B80] =	vst v63  }
0x61: {  	s28 =	simm.s32 $0xB000  }
0x62: {  	[tilespmem:s28], [sflag:$0x1] =	stream.indirect_vreg.gather [hbm4b:s2+s3], $0x80, v20, vm0, $0xb8;
	[tilespmem:$0x13B80] =	vst v63  }
0x63: {  	v20 =	vld [tilespmem:$0x850];
	_ =	sdelay $0x4  }
0x64: {  	v63 =	vshll.u32 v20, $0x1  }
0x65: {  	v20 =	vand.u32 $0x7, v20;
	v21 =	vand.u32 $0xFFFFFFF0, v63  }
0x66: {  	v20 =	vor.u32 v20, v21  }
0x67: {  	v21 =	vperm.xlane v20, v1;
	_ =	sdelay $0x1  }
0x68: {  	v20 =	vperm.xlane v20, v4;
	v21 =	vadd.s32 v3, v21;
	_ =	sdelay $0x1  }
0x69: {  	v20 =	vadd.s32 v3, v20;
	_ =	sdelay $0x1  }
0x6a: {  	s30 =	simm.s32 $0xB800  }
0x6b: {  	[tilespmem:s30], [sflag:$0x1] =	stream.indirect_vreg.gather [hbm4b:s2+s3], $0x80, v21, vm0, $0xb8;
	[tilespmem:$0x13B80] =	vst v63  }
0x6c: {  	s31 =	simm.s32 $0xC000;
	s4 =	simm.s32 $0x0  }
0x6d: {  	[tilespmem:s31], [sflag:$0x1] =	stream.indirect_vreg.gather [hbm4b:s2+s3], $0x80, v20, vm0, $0xb8;
	[tilespmem:$0x13B80] =	vst v63  }
.LBB2_2:
0x6e: {  	s7 =	sshll.u32 s4, $0x7  }
0x6f: {  	v20 =	vld [tilespmem:s7+$0x0]  }
0x70: {  	v21 =	vld [tilespmem:s7+$0x10]  }
0x71: {  	v22 =	vld [tilespmem:s7+$0x20]  }
0x72: {  	v23 =	vld [tilespmem:s7+$0x30]  }
0x73: {  	v24 =	vld [tilespmem:s7+$0x40]  }
0x74: {  	v25 =	vld [tilespmem:s7+$0x50]  }
0x75: {  	v26 =	vld [tilespmem:s7+$0x60]  }
0x76: {  	v27 =	vld [tilespmem:s7+$0x70]  }
0x77: {  	v28 =	vld [tilespmem:s7+$0x400]  }
0x78: {  	v29 =	vld [tilespmem:s7+$0x410]  }
0x79: {  	v30 =	vld [tilespmem:s7+$0x420]  }
0x7a: {  	s1 =	sand.u32 $0x1, s4;
	p1 =	slt.u32 s4, $0x2;
	v31 =	vld [tilespmem:s7+$0x430]  }
0x7b: {  	v32 =	vld [tilespmem:s7+$0x440];
	p0 =	sne.s32 @!p1 s1, $0x0  }
0x7c: {  	v33 =	vld [tilespmem:s7+$0x450];
	p2 =	por p0, p1  }
0x7d: {  	s22 =	smul.u32 $0x3000, s4;
	s30 =	simm.s32 $0x0;
	v34 =	vld [tilespmem:s7+$0x460];
	s0 =	simm.s32 @!p2 $0x3  }
0x7e: {  	v35 =	vld [tilespmem:s7+$0x470];
	s24 =	sand.u32 $0x80, s7;
	p0 =	seq.s32 s1, $0x1;
	_ =	swait.ge @!p2 [sflag:s0], $0x880  }
0x7f: {  	s25 =	sshra.s32 s22, $0x2;
	p1 =	por !p0, p1;
	[sflag:s0] =	ssyncset.done @!p2 $0x0  }
0x80: {  	[dreg:$0x12] =	wrdreg s1;
	[sflag:s0] =	ssyncadd.s32 @!p2 $0xFFFFF780;
	s0 =	simm.s32 @!p1 $0x4  }
0x81: {  	s28 =	sadd.s32 $0x12A80, s24;
	s31 =	sadd.s32 $0x1450, s25;
	_ =	swait.ge @!p1 [sflag:s0], $0x880  }
0x82: {  	s26 =	sadd.s32 $0x800, s25;
	[dreg:$0x13] =	wrdreg s31;
	[sflag:s0] =	ssyncset.done @!p1 $0x0  }
0x83: {  	v36 =	vmov s26;
	[dreg:$0x11] =	wrdreg s4;
	[sflag:s0] =	ssyncadd.s32 @!p1 $0xFFFFF780;
	p1 =	seq.s32 s4, $0x7  }
.LBB2_3:
0x84: {  	_ = 	snop  }
0x85: {  	s31 =	sshllo.u32 s30, $0x1  }
0x86: {  	s0 =	sshll.u32 s31, $0x7  }
0x87: {  	s0 =	sand.u32 $0x3FFFFF80, s0  }
0x88: {  	v37 =	vld.idx.msk [tilespmem:v36+s0+$0x0 ss:$0x1], $0xffff;
	_ =	sdelay $0x4  }
0x89: {  	v38 =	vshll.u32 v37, $0x1  }
0x8a: {  	v37 =	vand.u32 $0x7, v37;
	v38 =	vand.u32 $0xFFFFFFF0, v38  }
0x8b: {  	v37 =	vor.u32 v37, v38  }
0x8c: {  	v38 =	vperm.xlane v37, v1;
	_ =	sdelay $0x1  }
0x8d: {  	v37 =	vperm.xlane v37, v4;
	v38 =	vadd.s32 v3, v38;
	_ =	sdelay $0x1  }
0x8e: {  	v37 =	vadd.s32 v3, v37;
	_ =	sdelay $0x1  }
0x8f: {  	s1 =	simm.s32 $0xC800  }
0x90: {  	[tilespmem:s1], [sflag:$0x2] =	stream.indirect_vreg.gather [hbm4b:s2+s29], $0x80, v38, vm0, $0xb8;
	[tilespmem:$0x13B80] =	vst v63  }
0x91: {  	s14 =	simm.s32 $0xD000  }
0x92: {  	[tilespmem:s14], [sflag:$0x2] =	stream.indirect_vreg.gather [hbm4b:s2+s29], $0x80, v37, vm0, $0xb8;
	[tilespmem:$0x13B80] =	vst v63  }
0x93: {  	v37 =	vld.idx.msk [tilespmem:v36+s0+$0x10 ss:$0x1], $0xffff;
	_ =	sdelay $0x4  }
0x94: {  	v59 =	vshll.u32 v37, $0x1  }
0x95: {  	v37 =	vand.u32 $0x7, v37;
	v38 =	vand.u32 $0xFFFFFFF0, v59  }
0x96: {  	v37 =	vor.u32 v37, v38  }
0x97: {  	v38 =	vperm.xlane v37, v1;
	_ =	sdelay $0x1  }
0x98: {  	v37 =	vperm.xlane v37, v4;
	v38 =	vadd.s32 v3, v38;
	_ =	sdelay $0x1  }
0x99: {  	v37 =	vadd.s32 v3, v37;
	_ =	sdelay $0x1  }
0x9a: {  	s16 =	simm.s32 $0xD800  }
0x9b: {  	[tilespmem:s16], [sflag:$0x2] =	stream.indirect_vreg.gather [hbm4b:s2+s29], $0x80, v38, vm0, $0xb8;
	[tilespmem:$0x13B80] =	vst v63  }
0x9c: {  	s18 =	simm.s32 $0xE000  }
0x9d: {  	[tilespmem:s18], [sflag:$0x2] =	stream.indirect_vreg.gather [hbm4b:s2+s29], $0x80, v37, vm0, $0xb8;
	[tilespmem:$0x13B80] =	vst v63  }
0x9e: {  	v37 =	vld.idx.msk [tilespmem:v36+s0+$0x20 ss:$0x1], $0xffff;
	_ =	sdelay $0x4  }
0x9f: {  	v60 =	vshll.u32 v37, $0x1  }
0xa0: {  	v37 =	vand.u32 $0x7, v37;
	v38 =	vand.u32 $0xFFFFFFF0, v60  }
0xa1: {  	v37 =	vor.u32 v37, v38  }
0xa2: {  	v38 =	vperm.xlane v37, v1;
	_ =	sdelay $0x1  }
0xa3: {  	v37 =	vperm.xlane v37, v4;
	v38 =	vadd.s32 v3, v38;
	_ =	sdelay $0x1  }
0xa4: {  	v37 =	vadd.s32 v3, v37;
	_ =	sdelay $0x1  }
0xa5: {  	s20 =	simm.s32 $0xE800  }
0xa6: {  	[tilespmem:s20], [sflag:$0x2] =	stream.indirect_vreg.gather [hbm4b:s2+s29], $0x80, v38, vm0, $0xb8;
	[tilespmem:$0x13B80] =	vst v63  }
0xa7: {  	s22 =	simm.s32 $0xF000  }
0xa8: {  	[tilespmem:s22], [sflag:$0x2] =	stream.indirect_vreg.gather [hbm4b:s2+s29], $0x80, v37, vm0, $0xb8;
	[tilespmem:$0x13B80] =	vst v63  }
0xa9: {  	v37 =	vld.idx.msk [tilespmem:v36+s0+$0x30 ss:$0x1], $0xffff;
	_ =	sdelay $0x4  }
0xaa: {  	v61 =	vshll.u32 v37, $0x1  }
0xab: {  	v37 =	vand.u32 $0x7, v37;
	v38 =	vand.u32 $0xFFFFFFF0, v61  }
0xac: {  	v37 =	vor.u32 v37, v38  }
0xad: {  	v38 =	vperm.xlane v37, v1;
	_ =	sdelay $0x1  }
0xae: {  	v37 =	vperm.xlane v37, v4;
	v38 =	vadd.s32 v3, v38;
	_ =	sdelay $0x1  }
0xaf: {  	v37 =	vadd.s32 v3, v37;
	_ =	sdelay $0x1  }
0xb0: {  	s24 =	simm.s32 $0xF800  }
0xb1: {  	[tilespmem:s24], [sflag:$0x2] =	stream.indirect_vreg.gather [hbm4b:s2+s29], $0x80, v38, vm0, $0xb8;
	[tilespmem:$0x13B80] =	vst v63  }
0xb2: {  	_ = 	snop  }
0xb3: {  	[tilespmem:s13], [sflag:$0x2] =	stream.indirect_vreg.gather [hbm4b:s2+s29], $0x80, v37, vm0, $0xb8;
	[tilespmem:$0x13B80] =	vst v63  }
0xb4: {  	v37 =	vld.idx.msk [tilespmem:v36+s0+$0x40 ss:$0x1], $0xffff;
	_ =	sdelay $0x4  }
0xb5: {  	v62 =	vshll.u32 v37, $0x1  }
0xb6: {  	v37 =	vand.u32 $0x7, v37;
	v38 =	vand.u32 $0xFFFFFFF0, v62  }
0xb7: {  	v37 =	vor.u32 v37, v38  }
0xb8: {  	v38 =	vperm.xlane v37, v1;
	_ =	sdelay $0x1  }
0xb9: {  	v37 =	vperm.xlane v37, v4;
	v38 =	vadd.s32 v3, v38;
	_ =	sdelay $0x1  }
0xba: {  	v37 =	vadd.s32 v3, v37;
	_ =	sdelay $0x2  }
0xbb: {  	[tilespmem:s15], [sflag:$0x2] =	stream.indirect_vreg.gather [hbm4b:s2+s29], $0x80, v38, vm0, $0xb8;
	[tilespmem:$0x13B80] =	vst v63  }
0xbc: {  	_ = 	snop  }
0xbd: {  	[tilespmem:s17], [sflag:$0x2] =	stream.indirect_vreg.gather [hbm4b:s2+s29], $0x80, v37, vm0, $0xb8;
	[tilespmem:$0x13B80] =	vst v63  }
0xbe: {  	v37 =	vld.idx.msk [tilespmem:v36+s0+$0x50 ss:$0x1], $0xffff;
	_ =	sdelay $0x4  }
0xbf: {  	v63 =	vshll.u32 v37, $0x1  }
0xc0: {  	v37 =	vand.u32 $0x7, v37;
	v38 =	vand.u32 $0xFFFFFFF0, v63  }
0xc1: {  	v37 =	vor.u32 v37, v38  }
0xc2: {  	v38 =	vperm.xlane v37, v1;
	_ =	sdelay $0x1  }
0xc3: {  	v37 =	vperm.xlane v37, v4;
	v38 =	vadd.s32 v3, v38;
	_ =	sdelay $0x1  }
0xc4: {  	v37 =	vadd.s32 v3, v37;
	_ =	sdelay $0x2  }
0xc5: {  	[tilespmem:s19], [sflag:$0x2] =	stream.indirect_vreg.gather [hbm4b:s2+s29], $0x80, v38, vm0, $0xb8;
	[tilespmem:$0x13B80] =	vst v63  }
0xc6: {  	_ = 	snop  }
0xc7: {  	[tilespmem:s21], [sflag:$0x2] =	stream.indirect_vreg.gather [hbm4b:s2+s29], $0x80, v37, vm0, $0xb8;
	[tilespmem:$0x13B80] =	vst v63  }
0xc8: {  	_ =	swait.ge [sflag:s23], $0x6000  }
0xc9: {  	s10 =	simm.s32 $0x0;
	[sflag:s23] =	ssyncset.done $0x0  }
0xca: {  	s1 =	smul.u32 $0xC0, s30;
	s0 =	simm.s32 $0x0;
	[sflag:s23] =	ssyncadd.s32 $0xFFFFA000  }
.LBB2_4:
0xcb: {  	s4 =	sand.u32 $0x7800, s0;
	s12 =	simm.s32 $0x0  }
0xcc: {  	s12 =	sand.u32 $0x200, s12;
	s4 =	sadd.s32 $0x6800, s4  }
0xcd: {  	s12 =	sor.u32 s12, s4  }
0xce: {  	v37 =	vld [tilespmem:s12+$0x0]  }
0xcf: {  	v38 =	vld [tilespmem:s12+$0x10]  }
0xd0: {  	v39 =	vld [tilespmem:s12+$0x20]  }
0xd1: {  	p2 =	por $0x0, $0x0;
	s14 =	simm.s32 $0x1;
	v40 =	vld [tilespmem:s12+$0x30]  }
0xd2: {  	s14 =	simm.s32 @!p2 $0x0;
	v41 =	vld [tilespmem:s12+$0x40]  }
0xd3: {  	s14 =	sshll.u32 s14, $0x9;
	v42 =	vld [tilespmem:s12+$0x50]  }
0xd4: {  	s14 =	sadd.s32 s14, s0;
	v43 =	vld [tilespmem:s12+$0x60]  }
0xd5: {  	v44 =	vld [tilespmem:s12+$0x70];
	s11 =	sor.u32 $0x400, s14  }
0xd6: {  	s16 =	sor.u32 $0x410, s14;
	v45 =	vld [tilespmem:s11+$0x6800]  }
0xd7: {  	s18 =	sor.u32 $0x420, s14;
	v46 =	vld [tilespmem:s16+$0x6800]  }
0xd8: {  	s20 =	sor.u32 $0x430, s14;
	v47 =	vld [tilespmem:s18+$0x6800]  }
0xd9: {  	s22 =	sor.u32 $0x440, s14;
	v48 =	vld [tilespmem:s20+$0x6800]  }
0xda: {  	s24 =	sor.u32 $0x450, s14;
	v49 =	vld [tilespmem:s22+$0x6800]  }
0xdb: {  	s5 =	sor.u32 $0x460, s14;
	s16 =	simm.s32 $0x80;
	v50 =	vld [tilespmem:s24+$0x6800]  }
0xdc: {  	s8 =	sor.u32 $0x470, s14;
	v51 =	vld [tilespmem:s5+$0x6800];
	s16 =	sand.u32 $0x280, s16  }
0xdd: {  	v52 =	vld [tilespmem:s8+$0x6800];
	s11 =	sor.u32 s16, s4  }
0xde: {  	v53 =	vld [tilespmem:s11+$0x0]  }
0xdf: {  	v54 =	vld [tilespmem:s11+$0x10]  }
0xe0: {  	v55 =	vld [tilespmem:s11+$0x20]  }
0xe1: {  	v56 =	vld [tilespmem:s11+$0x30]  }
0xe2: {  	v57 =	vld [tilespmem:s11+$0x40]  }
0xe3: {  	v58 =	vld [tilespmem:s11+$0x50]  }
0xe4: {  	v59 =	vld [tilespmem:s11+$0x60]  }
0xe5: {  	v37 =	vmul.f32 v37, v20;
	v38 =	vmul.f32 v38, v21;
	v60 =	vld [tilespmem:s11+$0x70]  }
0xe6: {  	v39 =	vmul.f32 v39, v22;
	v40 =	vmul.f32 v40, v23;
	v61 =	vld [tilespmem:s11+$0x400]  }
0xe7: {  	v41 =	vmul.f32 v41, v24;
	v42 =	vmul.f32 v42, v25;
	v37 =	vadd.f32 v38, v37;
	v38 =	vld [tilespmem:s11+$0x410]  }
0xe8: {  	v43 =	vmul.f32 v43, v26;
	v44 =	vmul.f32 v44, v27;
	v39 =	vadd.f32 v40, v39;
	v40 =	vld [tilespmem:s11+$0x420]  }
0xe9: {  	v45 =	vmul.f32 v45, v28;
	v46 =	vmul.f32 v46, v29;
	v41 =	vadd.f32 v42, v41;
	v42 =	vld [tilespmem:s11+$0x430]  }
0xea: {  	v49 =	vmul.f32 v49, v32;
	v50 =	vmul.f32 v50, v33;
	v43 =	vadd.f32 v44, v43;
	v44 =	vld [tilespmem:s11+$0x440]  }
0xeb: {  	s16 =	simm.s32 $0x100;
	v45 =	vadd.f32 v46, v45;
	v46 =	vld [tilespmem:s11+$0x450]  }
0xec: {  	s12 =	sand.u32 $0x300, s16;
	v63 =	vadd.f32 v50, v49;
	v49 =	vld [tilespmem:s11+$0x460]  }
0xed: {  	s12 =	sor.u32 s12, s4;
	v47 =	vmul.f32 v47, v30;
	v48 =	vmul.f32 v48, v31;
	v37 =	vadd.f32 v39, v37;
	v39 =	vld [tilespmem:s11+$0x470]  }
0xee: {  	s18 =	simm.s32 $0x180;
	v51 =	vmul.f32 v51, v34;
	v52 =	vmul.f32 v52, v35;
	v41 =	vadd.f32 v43, v41;
	v43 =	vld [tilespmem:s12+$0x0]  }
0xef: {  	s14 =	sand.u32 $0x380, s18;
	v47 =	vadd.f32 v48, v47;
	v48 =	vld [tilespmem:s12+$0x10]  }
0xf0: {  	s14 =	sor.u32 s14, s4;
	v62 =	vadd.f32 v52, v51;
	v51 =	vmul.f32 v53, v20;
	v52 =	vmul.f32 v54, v21;
	v53 =	vld [tilespmem:s12+$0x40]  }
0xf1: {  	v50 =	vmul.f32 v55, v22;
	v54 =	vmul.f32 v58, v25;
	v55 =	vld [tilespmem:s14+$0x30];
	v45 =	vadd.f32 v47, v45  }
0xf2: {  	v63 =	vadd.f32 v62, v63;
	v62 =	vmul.f32 v56, v23;
	v47 =	vmul.f32 v57, v24;
	v56 =	vld [tilespmem:s12+$0x50]  }
0xf3: {  	v37 =	vadd.f32 v41, v37;
	v57 =	vld [tilespmem:s12+$0x60];
	v38 =	vmul.f32 v38, v29;
	v40 =	vmul.f32 v40, v30  }
0xf4: {  	v51 =	vadd.f32 v52, v51;
	v52 =	vld [tilespmem:s12+$0x20];
	v42 =	vmul.f32 v42, v31;
	v44 =	vmul.f32 v44, v32  }
0xf5: {  	v63 =	vadd.f32 v63, v45;
	v45 =	vld [tilespmem:s12+$0x30];
	v50 =	vadd.f32 v62, v50;
	v62 =	vmul.f32 v59, v26  }
0xf6: {  	v47 =	vadd.f32 v54, v47;
	v54 =	vld [tilespmem:s12+$0x400];
	v46 =	vmul.f32 v46, v33;
	v39 =	vmul.f32 v39, v35  }
0xf7: {  	v37 =	vadd.f32 v63, v37;
	v63 =	vmul.f32 v60, v27;
	v50 =	vadd.f32 v50, v51;
	v51 =	vld [tilespmem:s12+$0x70]  }
0xf8: {  	v60 =	vmul.f32 v61, v28;
	v61 =	vmul.f32 v49, v34;
	v49 =	vld [tilespmem:s12+$0x420]  }
0xf9: {  	v40 =	vadd.f32 v42, v40;
	v43 =	vmul.f32 v43, v20;
	v58 =	vmul.f32 v53, v24;
	v53 =	vld [tilespmem:s14+$0x50]  }
0xfa: {  	v44 =	vadd.f32 v46, v44;
	v46 =	vld [tilespmem:s12+$0x430];
	v59 =	vmul.f32 v56, v25;
	v41 =	vadd.f32 v63, v62  }
0xfb: {  	s20 =	simm.s32 $0x0;
	v38 =	vadd.f32 v38, v60;
	v39 =	vadd.f32 v39, v61;
	v62 =	vmul.f32 v48, v21;
	v48 =	vld [tilespmem:s12+$0x440]  }
0xfc: {  	v63 =	vmul.f32 v52, v22;
	v60 =	vld [tilespmem:s12+$0x460];
	v61 =	vadd.s32 s20, v0;
	v41 =	vadd.f32 v41, v47  }
0xfd: {  	v45 =	vmul.f32 v45, v23;
	v47 =	vld [tilespmem:s12+$0x410];
	v38 =	vadd.f32 v40, v38;
	v39 =	vadd.f32 v39, v44  }
0xfe: {  	v42 =	vadd.f32 v62, v43;
	v62 =	vld [tilespmem:s12+$0x470];
	v44 =	vadd.f32 v59, v58;
	v58 =	vmul.f32 v57, v26  }
0xff: {  	v59 =	vmul.f32 v54, v28;
	v51 =	vmul.f32 v51, v27;
	v41 =	vadd.f32 v41, v50;
	v50 =	vld [tilespmem:s12+$0x450]  }
0x100: {  	s22 =	simm.s32 $0x11;
	v40 =	vadd.f32 v45, v63;
	v63 =	vld [tilespmem:s14+$0x0];
	v49 =	vmul.f32 v49, v30;
	v53 =	vmul.f32 v53, v25  }
0x101: {  	v54 =	vld [tilespmem:s14+$0x20];
	v38 =	vadd.f32 v39, v38;
	v39 =	vadd.s32 s22, v0;
	v46 =	vmul.f32 v46, v31  }
0x102: {  	s16 =	simm.s32 $0x33;
	v40 =	vadd.f32 v40, v42;
	v42 =	vld [tilespmem:s14+$0x10];
	v51 =	vadd.f32 v51, v58;
	v48 =	vmul.f32 v48, v32  }
0x103: {  	v60 =	vmul.f32 v60, v34;
	[tilespmem:v61+s6+$0x0] =	vst.idx.msk $0xffff, v37;
	v37 =	vadd.s32 s16, v0;
	v47 =	vmul.f32 v47, v29  }
0x104: {  	v56 =	vld [tilespmem:s14+$0x40];
	v41 =	vadd.f32 v38, v41;
	v45 =	vmul.f32 v62, v35;
	v50 =	vmul.f32 v50, v33  }
0x105: {  	v58 =	vld [tilespmem:s14+$0x70];
	v61 =	vadd.f32 v46, v49;
	v63 =	vmul.f32 v63, v20;
	v47 =	vadd.f32 v47, v59  }
0x106: {  	v45 =	vadd.f32 v45, v60;
	v59 =	vmul.f32 v54, v22;
	v62 =	vadd.f32 v50, v48;
	v48 =	vld [tilespmem:s14+$0x60]  }
0x107: {  	s24 =	simm.s32 $0x22;
	v44 =	vadd.f32 v51, v44;
	v60 =	vmul.f32 v55, v23;
	v57 =	vmul.f32 v42, v21;
	v42 =	vld [tilespmem:s14+$0x400]  }
0x108: {  	v38 =	vadd.s32 s24, v0;
	v46 =	vld [tilespmem:s14+$0x410];
	[tilespmem:v39+s6+$0x0] =	vst.idx.msk $0xffff, v41;
	v47 =	vadd.f32 v61, v47;
	v61 =	vadd.f32 v45, v62  }
0x109: {  	v43 =	vld [tilespmem:s14+$0x420];
	v51 =	vadd.f32 v60, v59;
	v62 =	vadd.f32 v57, v63;
	v63 =	vmul.f32 v56, v24  }
0x10a: {  	s18 =	simm.s32 $0x380;
	v39 =	vadd.f32 v44, v40;
	v49 =	vmul.f32 v58, v27;
	v44 =	vadd.f32 v61, v47;
	v47 =	vld [tilespmem:s14+$0x430]  }
0x10b: {  	s4 =	simm.s32 $0x0;
	s20 =	sadd.s32 $0x400, s0;
	s12 =	sshll.u32 s10, $0x4;
	v45 =	vld [tilespmem:s14+$0x440];
	v41 =	vadd.f32 v53, v63;
	v40 =	vadd.f32 v51, v62;
	v48 =	vmul.f32 v48, v26  }
.LBB2_5:
0x10c: {  	s22 =	sand.u32 $0x7800, s20;
	s24 =	sadd.s32 $0xFFFFFE80, s18;
	s5 =	sadd.s32 $0xFFFFFF00, s18;
	v39 =	vadd.f32 v44, v39;
	v42 =	vmul.f32 v42, v28;
	v44 =	vld [tilespmem:s14+$0x450]  }
0x10d: {  	s24 =	sand.u32 $0x200, s24;
	s8 =	sadd.s32 $0x6800, s22;
	s22 =	sadd.s32 $0xFFFFFF80, s18;
	v46 =	vmul.f32 v46, v29;
	v50 =	vld [tilespmem:s14+$0x460];
	v48 =	vadd.f32 v49, v48  }
0x10e: {  	s5 =	sand.u32 $0x280, s5;
	s11 =	sor.u32 s24, s8;
	s22 =	sand.u32 $0x300, s22;
	[tilespmem:v38+s6+$0x0] =	vst.idx.msk $0xffff, v39;
	v38 =	vmul.f32 v43, v30;
	v39 =	vld [tilespmem:s14+$0x470]  }
0x10f: {  	s24 =	sor.u32 s5, s8;
	s5 =	sand.u32 $0x380, s18;
	v43 =	vld [tilespmem:s11+$0x0];
	s22 =	sor.u32 s22, s8;
	v47 =	vmul.f32 v47, v31;
	v42 =	vadd.f32 v46, v42;
	v41 =	vadd.f32 v48, v41  }
0x110: {  	s14 =	sor.u32 s5, s8;
	v46 =	vld [tilespmem:s11+$0x10];
	v45 =	vmul.f32 v45, v32  }
0x111: {  	v48 =	vld [tilespmem:s11+$0x20];
	v44 =	vmul.f32 v44, v33;
	v38 =	vadd.f32 v47, v38;
	v40 =	vadd.f32 v41, v40  }
0x112: {  	p2 =	por !p2, !p2;
	s5 =	simm.s32 $0x1;
	v41 =	vld [tilespmem:s11+$0x30];
	v47 =	vmul.f32 v50, v34  }
0x113: {  	s5 =	simm.s32 @!p2 $0x0;
	v49 =	vld [tilespmem:s11+$0x40];
	v39 =	vmul.f32 v39, v35;
	v44 =	vadd.f32 v44, v45;
	v38 =	vadd.f32 v38, v42  }
0x114: {  	s5 =	sshll.u32 s5, $0x9;
	v42 =	vld [tilespmem:s11+$0x50]  }
0x115: {  	s5 =	sadd.s32 s5, s20;
	v45 =	vld [tilespmem:s11+$0x60];
	v39 =	vadd.f32 v39, v47  }
0x116: {  	s8 =	sor.u32 $0x400, s5;
	v47 =	vld [tilespmem:s11+$0x70]  }
0x117: {  	v50 =	vld [tilespmem:s8+$0x6800];
	s8 =	sor.u32 $0x410, s5;
	v39 =	vadd.f32 v39, v44  }
0x118: {  	v44 =	vld [tilespmem:s8+$0x6800];
	s8 =	sor.u32 $0x420, s5  }
0x119: {  	v51 =	vld [tilespmem:s8+$0x6800];
	s8 =	sor.u32 $0x430, s5;
	v38 =	vadd.f32 v39, v38  }
0x11a: {  	s4 =	sadd.s32 $0x4, s4;
	v39 =	vld [tilespmem:s8+$0x6800];
	s8 =	sor.u32 $0x440, s5  }
0x11b: {  	p3 =	slt.u32 s4, $0xC;
	v43 =	vmul.f32 v43, v20;
	v46 =	vmul.f32 v46, v21;
	v52 =	vld [tilespmem:s8+$0x6800];
	s8 =	sor.u32 $0x450, s5;
	v38 =	vadd.f32 v38, v40  }
0x11c: {  	v41 =	vmul.f32 v41, v23;
	v40 =	vmul.f32 v48, v22;
	v48 =	vld [tilespmem:s8+$0x6800];
	s8 =	sor.u32 $0x460, s5  }
0x11d: {  	v49 =	vmul.f32 v49, v24;
	v42 =	vmul.f32 v42, v25;
	s5 =	sor.u32 $0x470, s5;
	v53 =	vld [tilespmem:s8+$0x6800];
	[tilespmem:v37+s6+$0x0] =	vst.idx.msk $0xffff, v38  }
0x11e: {  	v37 =	vmul.f32 v45, v26;
	v38 =	vmul.f32 v47, v27;
	v45 =	vld [tilespmem:s5+$0x6800]  }
0x11f: {  	v47 =	vmul.f32 v50, v28;
	v44 =	vmul.f32 v44, v29;
	v50 =	vld [tilespmem:s24+$0x0]  }
0x120: {  	v51 =	vmul.f32 v51, v30;
	v39 =	vmul.f32 v39, v31;
	v54 =	vld [tilespmem:s24+$0x10]  }
0x121: {  	v52 =	vmul.f32 v52, v32;
	v48 =	vmul.f32 v48, v33;
	v55 =	vld [tilespmem:s24+$0x20]  }
0x122: {  	v43 =	vadd.f32 v46, v43;
	v40 =	vadd.f32 v41, v40;
	v53 =	vmul.f32 v53, v34;
	v41 =	vld [tilespmem:s24+$0x30]  }
0x123: {  	v42 =	vadd.f32 v42, v49;
	v37 =	vadd.f32 v38, v37;
	v45 =	vmul.f32 v45, v35;
	v38 =	vld [tilespmem:s24+$0x40]  }
0x124: {  	v44 =	vadd.f32 v44, v47;
	v39 =	vadd.f32 v39, v51;
	v46 =	vmul.f32 v50, v20;
	v47 =	vld [tilespmem:s24+$0x50]  }
0x125: {  	v48 =	vadd.f32 v48, v52;
	v45 =	vadd.f32 v45, v53;
	v49 =	vmul.f32 v54, v21;
	v50 =	vld [tilespmem:s24+$0x60]  }
0x126: {  	s16 =	sadd.s32 $0x44, s16;
	v40 =	vadd.f32 v40, v43;
	v37 =	vadd.f32 v37, v42;
	v42 =	vmul.f32 v55, v22;
	v43 =	vld [tilespmem:s24+$0x70]  }
0x127: {  	s11 =	sadd.s32 $0xFFFFFFEF, s16;
	s8 =	sadd.s32 $0xFFFFFFDE, s16;
	s5 =	sadd.s32 $0xFFFFFFCD, s16;
	v39 =	vadd.f32 v39, v44;
	v44 =	vadd.f32 v45, v48;
	v41 =	vmul.f32 v41, v23;
	v45 =	vld [tilespmem:s24+$0x400]  }
0x128: {  	v48 =	vadd.s32 s5, v0;
	v46 =	vadd.f32 v49, v46;
	v38 =	vmul.f32 v38, v24;
	v51 =	vld [tilespmem:s24+$0x410]  }
0x129: {  	v37 =	vadd.f32 v37, v40;
	v39 =	vadd.f32 v44, v39;
	v40 =	vmul.f32 v47, v25;
	v44 =	vld [tilespmem:s24+$0x420]  }
0x12a: {  	v41 =	vadd.f32 v41, v42;
	v42 =	vadd.s32 s8, v0;
	v47 =	vmul.f32 v50, v26;
	v49 =	vld [tilespmem:s24+$0x430]  }
0x12b: {  	v37 =	vadd.f32 v39, v37;
	v39 =	vmul.f32 v43, v27;
	v43 =	vld [tilespmem:s24+$0x440];
	v40 =	vadd.f32 v40, v38  }
0x12c: {  	v41 =	vadd.f32 v41, v46;
	v38 =	vadd.s32 s11, v0;
	v45 =	vmul.f32 v45, v28;
	v50 =	vld [tilespmem:s24+$0x450]  }
0x12d: {  	[tilespmem:v48+s6+$0x0] =	vst.idx.msk $0xffff, v37;
	v46 =	vmul.f32 v51, v29;
	v48 =	vld [tilespmem:s24+$0x460];
	v39 =	vadd.f32 v39, v47;
	v37 =	vadd.s32 s16, v0  }
0x12e: {  	v44 =	vmul.f32 v44, v30;
	v47 =	vld [tilespmem:s24+$0x470]  }
0x12f: {  	v49 =	vmul.f32 v49, v31;
	v45 =	vadd.f32 v46, v45;
	v39 =	vadd.f32 v39, v40;
	v40 =	vld [tilespmem:s22+$0x0]  }
0x130: {  	v43 =	vmul.f32 v43, v32;
	v46 =	vld [tilespmem:s22+$0x10]  }
0x131: {  	v50 =	vmul.f32 v50, v33;
	v44 =	vadd.f32 v49, v44;
	v39 =	vadd.f32 v39, v41;
	v41 =	vld [tilespmem:s22+$0x20]  }
0x132: {  	v48 =	vmul.f32 v48, v34;
	v49 =	vld [tilespmem:s22+$0x30]  }
0x133: {  	v47 =	vmul.f32 v47, v35;
	v43 =	vadd.f32 v50, v43;
	v44 =	vadd.f32 v44, v45;
	v45 =	vld [tilespmem:s22+$0x40]  }
0x134: {  	v40 =	vmul.f32 v40, v20;
	v50 =	vld [tilespmem:s22+$0x50]  }
0x135: {  	v47 =	vadd.f32 v47, v48;
	v46 =	vmul.f32 v46, v21;
	v48 =	vld [tilespmem:s22+$0x60]  }
0x136: {  	v41 =	vmul.f32 v41, v22;
	v51 =	vld [tilespmem:s22+$0x70]  }
0x137: {  	v43 =	vadd.f32 v47, v43;
	v47 =	vmul.f32 v49, v23;
	v49 =	vld [tilespmem:s22+$0x400];
	v40 =	vadd.f32 v46, v40  }
0x138: {  	v45 =	vmul.f32 v45, v24;
	v46 =	vld [tilespmem:s22+$0x410]  }
0x139: {  	v43 =	vadd.f32 v43, v44;
	v44 =	vmul.f32 v50, v25;
	v50 =	vld [tilespmem:s22+$0x420];
	v41 =	vadd.f32 v47, v41  }
0x13a: {  	v47 =	vmul.f32 v48, v26;
	v48 =	vld [tilespmem:s22+$0x430]  }
0x13b: {  	v51 =	vmul.f32 v51, v27;
	v52 =	vld [tilespmem:s22+$0x440];
	v44 =	vadd.f32 v44, v45;
	v40 =	vadd.f32 v41, v40  }
0x13c: {  	v39 =	vadd.f32 v43, v39;
	v41 =	vmul.f32 v49, v28;
	v43 =	vld [tilespmem:s22+$0x450]  }
0x13d: {  	v45 =	vmul.f32 v46, v29;
	v46 =	vld [tilespmem:s22+$0x460];
	v47 =	vadd.f32 v51, v47  }
0x13e: {  	[tilespmem:v42+s6+$0x0] =	vst.idx.msk $0xffff, v39;
	v39 =	vmul.f32 v50, v30;
	v42 =	vld [tilespmem:s22+$0x470]  }
0x13f: {  	v48 =	vmul.f32 v48, v31;
	v41 =	vadd.f32 v45, v41;
	v44 =	vadd.f32 v47, v44;
	v45 =	vld [tilespmem:s14+$0x0]  }
0x140: {  	v47 =	vmul.f32 v52, v32;
	v49 =	vld [tilespmem:s14+$0x10]  }
0x141: {  	v43 =	vmul.f32 v43, v33;
	v48 =	vadd.f32 v48, v39;
	v39 =	vadd.f32 v44, v40;
	v40 =	vld [tilespmem:s14+$0x20]  }
0x142: {  	v44 =	vmul.f32 v46, v34;
	v46 =	vld [tilespmem:s14+$0x30]  }
0x143: {  	v42 =	vmul.f32 v42, v35;
	v43 =	vadd.f32 v43, v47;
	v41 =	vadd.f32 v48, v41;
	v47 =	vld [tilespmem:s14+$0x40]  }
0x144: {  	v45 =	vmul.f32 v45, v20;
	v48 =	vld [tilespmem:s14+$0x50]  }
0x145: {  	v42 =	vadd.f32 v42, v44;
	v44 =	vmul.f32 v49, v21;
	v49 =	vld [tilespmem:s14+$0x60]  }
0x146: {  	v40 =	vmul.f32 v40, v22;
	v50 =	vld [tilespmem:s14+$0x70]  }
.Ltmp0:
0x147: {  	v43 =	vadd.f32 v42, v43;
	v51 =	vmul.f32 v46, v23;
	v42 =	vld [tilespmem:s14+$0x400];
	v52 =	vadd.f32 v44, v45;
	(pc) =	sbr.rel @p3 .LBB2_5-.Ltmp0, $4  }
0x148: {  	v53 =	vmul.f32 v47, v24;
	v46 =	vld [tilespmem:s14+$0x410]  }
0x149: {  	v44 =	vadd.f32 v43, v41;
	v41 =	vmul.f32 v48, v25;
	v43 =	vld [tilespmem:s14+$0x420];
	v40 =	vadd.f32 v51, v40  }
0x14a: {  	v48 =	vmul.f32 v49, v26;
	v47 =	vld [tilespmem:s14+$0x430]  }
0x14b: {  	s18 =	sadd.s32 $0x200, s18;
	s20 =	sadd.s32 $0x400, s20;
	v49 =	vmul.f32 v50, v27;
	v45 =	vld [tilespmem:s14+$0x440];
	v41 =	vadd.f32 v41, v53;
	v40 =	vadd.f32 v40, v52  }
0x14c: {  	v50 =	vld [tilespmem:s14+$0x450]  }
0x14d: {  	v51 =	vld [tilespmem:s14+$0x460]  }
0x14e: {  	v52 =	vld [tilespmem:s14+$0x470];
	_ =	sdelay $0x1  }
0x14f: {  	v42 =	vmul.f32 v42, v28;
	v46 =	vmul.f32 v46, v29  }
0x150: {  	v43 =	vmul.f32 v43, v30;
	v47 =	vmul.f32 v47, v31  }
0x151: {  	v45 =	vmul.f32 v45, v32;
	v50 =	vmul.f32 v50, v33  }
0x152: {  	v48 =	vadd.f32 v49, v48;
	v62 =	vmul.f32 v51, v34;
	v63 =	vmul.f32 v52, v35  }
0x153: {  	v42 =	vadd.f32 v46, v42;
	v43 =	vadd.f32 v47, v43  }
0x154: {  	v45 =	vadd.f32 v50, v45;
	v53 =	vadd.f32 v63, v62  }
0x155: {  	v41 =	vadd.f32 v48, v41  }
0x156: {  	v42 =	vadd.f32 v43, v42;
	v54 =	vadd.f32 v53, v45;
	_ =	sdelay $0x1  }
0x157: {  	v40 =	vadd.f32 v41, v40;
	v55 =	vadd.f32 v54, v42  }
0x158: {  	v39 =	vadd.f32 v44, v39  }
0x159: {  	v40 =	vadd.f32 v55, v40  }
0x15a: {  	[tilespmem:v38+s6+$0x0] =	vst.idx.msk $0xffff, v39  }
0x15b: {  	[tilespmem:v37+s6+$0x0] =	vst.idx.msk $0xffff, v40  }
0x15c: {  	v37 =	vld.idx.msk [tilespmem:v2+s6+$0x0], $0xffff  }
0x15d: {  	v38 =	vld.idx.msk [tilespmem:v5+s6+$0x0], $0xffff  }
0x15e: {  	v39 =	vld.idx.msk [tilespmem:v6+s6+$0x0], $0xffff  }
0x15f: {  	v40 =	vld.idx.msk [tilespmem:v7+s6+$0x0], $0xffff  }
0x160: {  	v41 =	vld.idx.msk [tilespmem:v8+s6+$0x0], $0xffff  }
0x161: {  	v42 =	vld.idx.msk [tilespmem:v9+s6+$0x0], $0xffff  }
0x162: {  	v43 =	vld.idx.msk [tilespmem:v10+s6+$0x0], $0xffff  }
0x163: {  	v44 =	vld.idx.msk [tilespmem:v11+s6+$0x0], $0xffff  }
0x164: {  	v56 =	vld.idx.msk [tilespmem:v12+s6+$0x0], $0xffff  }
0x165: {  	v57 =	vld.idx.msk [tilespmem:v13+s6+$0x0], $0xffff  }
0x166: {  	v58 =	vld.idx.msk [tilespmem:v14+s6+$0x0], $0xffff  }
0x167: {  	v59 =	vld.idx.msk [tilespmem:v15+s6+$0x0], $0xffff  }
0x168: {  	v60 =	vld.idx.msk [tilespmem:v16+s6+$0x0], $0xffff  }
0x169: {  	v61 =	vld.idx.msk [tilespmem:v17+s6+$0x0], $0xffff  }
0x16a: {  	v62 =	vld.idx.msk [tilespmem:v18+s6+$0x0], $0xffff  }
0x16b: {  	v63 =	vld.idx.msk [tilespmem:v19+s6+$0x0], $0xffff;
	_ =	sdelay $0x1  }
0x16c: {  	v37 =	vadd.f32 v38, v37;
	v53 =	vadd.f32 v40, v39  }
0x16d: {  	v54 =	vadd.f32 v42, v41;
	v55 =	vadd.f32 v44, v43  }
0x16e: {  	v56 =	vadd.f32 v57, v56;
	v57 =	vadd.f32 v59, v58  }
0x16f: {  	v58 =	vadd.f32 v61, v60;
	v59 =	vadd.f32 v63, v62  }
0x170: {  	v37 =	vadd.f32 v53, v37;
	v60 =	vadd.f32 v55, v54  }
0x171: {  	s10 =	sadd.s32 $0x1, s10;
	v61 =	vadd.f32 v57, v56;
	v62 =	vadd.f32 v59, v58  }
0x172: {  	s4 =	sadd.s32 s1, s12;
	p2 =	sne.s32 s10, $0x6  }
.Ltmp1:
0x173: {  	s5 =	sshll.u32 s4, $0x1;
	v37 =	vadd.f32 v60, v37;
	v63 =	vadd.f32 v62, v61;
	(pc) =	sbr.rel @p2 .LBB2_4-.Ltmp1, $4  }
0x174: {  	s5 =	sand.u32 $0x3F00, s5  }
0x175: {  	s4 =	sand.u32 $0x70, s4;
	s5 =	sadd.s32 s5, s28;
	v37 =	vadd.f32 v63, v37  }
0x176: {  	s4 =	sadd.s32 s4, s5  }
0x177: {  	s0 =	sadd.s32 $0x1000, s0;
	[tilespmem:s4+$0x0] =	vst v37  }
0x178: {  	p2 =	seq.s32 s30, $0xA  }
.Ltmp2:
0x179: {  	_ = 	snop;
	(pc) =	sbr.rel @!p2 .LBB2_8-.Ltmp2, $1  }
0x17a: {  	_ =	sdelay $0x3  }
.Ltmp3:
0x17b: {  	(pc) =	sbr.rel @p1 .LBB2_12-.Ltmp3, $1  }
0x17c: {  	_ =	sdelay $0x3  }
0x17d: {  	v37 =	vld [tilespmem:s25+$0x1400];
	_ =	sdelay $0x4  }
0x17e: {  	v38 =	vshll.u32 v37, $0x1  }
0x17f: {  	v37 =	vand.u32 $0x7, v37;
	v38 =	vand.u32 $0xFFFFFFF0, v38  }
0x180: {  	v37 =	vor.u32 v37, v38  }
0x181: {  	v38 =	vperm.xlane v37, v1;
	_ =	sdelay $0x1  }
0x182: {  	v37 =	vperm.xlane v37, v4;
	v38 =	vadd.s32 v3, v38;
	_ =	sdelay $0x1  }
0x183: {  	v37 =	vadd.s32 v3, v37;
	_ =	sdelay $0x1  }
0x184: {  	s0 =	simm.s32 $0x6800  }
0x185: {  	[tilespmem:s0], [sflag:$0x1] =	stream.indirect_vreg.gather [hbm4b:s2+s3], $0x80, v38, vm0, $0xb8;
	[tilespmem:$0x13B80] =	vst v63  }
0x186: {  	s10 =	simm.s32 $0x7000  }
0x187: {  	[tilespmem:s10], [sflag:$0x1] =	stream.indirect_vreg.gather [hbm4b:s2+s3], $0x80, v37, vm0, $0xb8;
	[tilespmem:$0x13B80] =	vst v63  }
0x188: {  	v37 =	vld [tilespmem:s25+$0x1410];
	_ =	sdelay $0x4  }
0x189: {  	v60 =	vshll.u32 v37, $0x1  }
0x18a: {  	v37 =	vand.u32 $0x7, v37;
	v38 =	vand.u32 $0xFFFFFFF0, v60  }
0x18b: {  	v37 =	vor.u32 v37, v38  }
0x18c: {  	v38 =	vperm.xlane v37, v1;
	_ =	sdelay $0x1  }
0x18d: {  	v37 =	vperm.xlane v37, v4;
	v38 =	vadd.s32 v3, v38;
	_ =	sdelay $0x1  }
0x18e: {  	v37 =	vadd.s32 v3, v37;
	_ =	sdelay $0x1  }
0x18f: {  	s11 =	simm.s32 $0x7800  }
0x190: {  	[tilespmem:s11], [sflag:$0x1] =	stream.indirect_vreg.gather [hbm4b:s2+s3], $0x80, v38, vm0, $0xb8;
	[tilespmem:$0x13B80] =	vst v63  }
0x191: {  	s12 =	simm.s32 $0x8000  }
0x192: {  	[tilespmem:s12], [sflag:$0x1] =	stream.indirect_vreg.gather [hbm4b:s2+s3], $0x80, v37, vm0, $0xb8;
	[tilespmem:$0x13B80] =	vst v63  }
0x193: {  	v37 =	vld [tilespmem:s25+$0x1420];
	_ =	sdelay $0x4  }
0x194: {  	v61 =	vshll.u32 v37, $0x1  }
0x195: {  	v37 =	vand.u32 $0x7, v37;
	v38 =	vand.u32 $0xFFFFFFF0, v61  }
0x196: {  	v37 =	vor.u32 v37, v38  }
0x197: {  	v38 =	vperm.xlane v37, v1;
	_ =	sdelay $0x1  }
0x198: {  	v37 =	vperm.xlane v37, v4;
	v38 =	vadd.s32 v3, v38;
	_ =	sdelay $0x1  }
0x199: {  	v37 =	vadd.s32 v3, v37;
	_ =	sdelay $0x1  }
0x19a: {  	s14 =	simm.s32 $0x8800  }
0x19b: {  	[tilespmem:s14], [sflag:$0x1] =	stream.indirect_vreg.gather [hbm4b:s2+s3], $0x80, v38, vm0, $0xb8;
	[tilespmem:$0x13B80] =	vst v63  }
0x19c: {  	s16 =	simm.s32 $0x9000  }
0x19d: {  	[tilespmem:s16], [sflag:$0x1] =	stream.indirect_vreg.gather [hbm4b:s2+s3], $0x80, v37, vm0, $0xb8;
	[tilespmem:$0x13B80] =	vst v63  }
0x19e: {  	v37 =	vld [tilespmem:s25+$0x1430];
	_ =	sdelay $0x4  }
0x19f: {  	v62 =	vshll.u32 v37, $0x1  }
0x1a0: {  	v37 =	vand.u32 $0x7, v37;
	v38 =	vand.u32 $0xFFFFFFF0, v62  }
0x1a1: {  	v37 =	vor.u32 v37, v38  }
0x1a2: {  	v38 =	vperm.xlane v37, v1;
	_ =	sdelay $0x1  }
0x1a3: {  	v37 =	vperm.xlane v37, v4;
	v38 =	vadd.s32 v3, v38;
	_ =	sdelay $0x1  }
0x1a4: {  	v37 =	vadd.s32 v3, v37;
	_ =	sdelay $0x1  }
0x1a5: {  	s18 =	simm.s32 $0x9800  }
0x1a6: {  	[tilespmem:s18], [sflag:$0x1] =	stream.indirect_vreg.gather [hbm4b:s2+s3], $0x80, v38, vm0, $0xb8;
	[tilespmem:$0x13B80] =	vst v63  }
0x1a7: {  	s20 =	simm.s32 $0xA000  }
0x1a8: {  	[tilespmem:s20], [sflag:$0x1] =	stream.indirect_vreg.gather [hbm4b:s2+s3], $0x80, v37, vm0, $0xb8;
	[tilespmem:$0x13B80] =	vst v63  }
0x1a9: {  	v37 =	vld [tilespmem:s25+$0x1440];
	_ =	sdelay $0x4  }
0x1aa: {  	v63 =	vshll.u32 v37, $0x1  }
0x1ab: {  	v37 =	vand.u32 $0x7, v37;
	v38 =	vand.u32 $0xFFFFFFF0, v63  }
0x1ac: {  	v37 =	vor.u32 v37, v38  }
0x1ad: {  	v38 =	vperm.xlane v37, v1;
	_ =	sdelay $0x1  }
0x1ae: {  	v37 =	vperm.xlane v37, v4;
	v38 =	vadd.s32 v3, v38;
	_ =	sdelay $0x1  }
0x1af: {  	v37 =	vadd.s32 v3, v37  }
.Ltmp4:
0x1b0: {  	_ = 	snop;
	(pc) =	sbr.rel .LBB2_11-.Ltmp4, $4  }
0x1b1: {  	s22 =	simm.s32 $0xA800  }
0x1b2: {  	[tilespmem:s22], [sflag:$0x1] =	stream.indirect_vreg.gather [hbm4b:s2+s3], $0x80, v38, vm0, $0xb8;
	[tilespmem:$0x13B80] =	vst v63  }
0x1b3: {  	s24 =	simm.s32 $0xB000;
	s0 =	rddreg [dreg:$0x13]  }
0x1b4: {  	[tilespmem:s24], [sflag:$0x1] =	stream.indirect_vreg.gather [hbm4b:s2+s3], $0x80, v37, vm0, $0xb8;
	[tilespmem:$0x13B80] =	vst v63  }
.LBB2_8:
0x1b5: {  	_ =	sdelay $0x1  }
0x1b6: {  	s0 =	sshll.u32 s30, $0x8  }
0x1b7: {  	s0 =	sand.u32 $0x3FFFFF00, s0  }
0x1b8: {  	v37 =	vld.idx.msk [tilespmem:v36+s0+$0x100 ss:$0x1], $0xffff;
	_ =	sdelay $0x4  }
0x1b9: {  	v38 =	vshll.u32 v37, $0x1  }
0x1ba: {  	v37 =	vand.u32 $0x7, v37;
	v38 =	vand.u32 $0xFFFFFFF0, v38  }
0x1bb: {  	v37 =	vor.u32 v37, v38  }
0x1bc: {  	v38 =	vperm.xlane v37, v1;
	_ =	sdelay $0x1  }
0x1bd: {  	v37 =	vperm.xlane v37, v4;
	v38 =	vadd.s32 v3, v38;
	_ =	sdelay $0x1  }
0x1be: {  	v37 =	vadd.s32 v3, v37;
	_ =	sdelay $0x1  }
0x1bf: {  	s1 =	simm.s32 $0x6800  }
0x1c0: {  	[tilespmem:s1], [sflag:$0x1] =	stream.indirect_vreg.gather [hbm4b:s2+s3], $0x80, v38, vm0, $0xb8;
	[tilespmem:$0x13B80] =	vst v63  }
0x1c1: {  	s10 =	simm.s32 $0x7000  }
0x1c2: {  	[tilespmem:s10], [sflag:$0x1] =	stream.indirect_vreg.gather [hbm4b:s2+s3], $0x80, v37, vm0, $0xb8;
	[tilespmem:$0x13B80] =	vst v63  }
0x1c3: {  	v37 =	vld.idx.msk [tilespmem:v36+s0+$0x110 ss:$0x1], $0xffff;
	_ =	sdelay $0x4  }
0x1c4: {  	v60 =	vshll.u32 v37, $0x1  }
0x1c5: {  	v37 =	vand.u32 $0x7, v37;
	v38 =	vand.u32 $0xFFFFFFF0, v60  }
0x1c6: {  	v37 =	vor.u32 v37, v38  }
0x1c7: {  	v38 =	vperm.xlane v37, v1;
	_ =	sdelay $0x1  }
0x1c8: {  	v37 =	vperm.xlane v37, v4;
	v38 =	vadd.s32 v3, v38;
	_ =	sdelay $0x1  }
0x1c9: {  	v37 =	vadd.s32 v3, v37;
	_ =	sdelay $0x1  }
0x1ca: {  	s11 =	simm.s32 $0x7800  }
0x1cb: {  	[tilespmem:s11], [sflag:$0x1] =	stream.indirect_vreg.gather [hbm4b:s2+s3], $0x80, v38, vm0, $0xb8;
	[tilespmem:$0x13B80] =	vst v63  }
0x1cc: {  	s12 =	simm.s32 $0x8000  }
0x1cd: {  	[tilespmem:s12], [sflag:$0x1] =	stream.indirect_vreg.gather [hbm4b:s2+s3], $0x80, v37, vm0, $0xb8;
	[tilespmem:$0x13B80] =	vst v63  }
0x1ce: {  	v37 =	vld.idx.msk [tilespmem:v36+s0+$0x120 ss:$0x1], $0xffff;
	_ =	sdelay $0x4  }
0x1cf: {  	v61 =	vshll.u32 v37, $0x1  }
0x1d0: {  	v37 =	vand.u32 $0x7, v37;
	v38 =	vand.u32 $0xFFFFFFF0, v61  }
0x1d1: {  	v37 =	vor.u32 v37, v38  }
0x1d2: {  	v38 =	vperm.xlane v37, v1;
	_ =	sdelay $0x1  }
0x1d3: {  	v37 =	vperm.xlane v37, v4;
	v38 =	vadd.s32 v3, v38;
	_ =	sdelay $0x1  }
0x1d4: {  	v37 =	vadd.s32 v3, v37;
	_ =	sdelay $0x1  }
0x1d5: {  	s14 =	simm.s32 $0x8800  }
0x1d6: {  	[tilespmem:s14], [sflag:$0x1] =	stream.indirect_vreg.gather [hbm4b:s2+s3], $0x80, v38, vm0, $0xb8;
	[tilespmem:$0x13B80] =	vst v63  }
0x1d7: {  	s16 =	simm.s32 $0x9000  }
0x1d8: {  	[tilespmem:s16], [sflag:$0x1] =	stream.indirect_vreg.gather [hbm4b:s2+s3], $0x80, v37, vm0, $0xb8;
	[tilespmem:$0x13B80] =	vst v63  }
0x1d9: {  	v37 =	vld.idx.msk [tilespmem:v36+s0+$0x130 ss:$0x1], $0xffff;
	_ =	sdelay $0x4  }
0x1da: {  	v62 =	vshll.u32 v37, $0x1  }
0x1db: {  	v37 =	vand.u32 $0x7, v37;
	v38 =	vand.u32 $0xFFFFFFF0, v62  }
0x1dc: {  	v37 =	vor.u32 v37, v38  }
0x1dd: {  	v38 =	vperm.xlane v37, v1;
	_ =	sdelay $0x1  }
0x1de: {  	v37 =	vperm.xlane v37, v4;
	v38 =	vadd.s32 v3, v38;
	_ =	sdelay $0x1  }
0x1df: {  	v37 =	vadd.s32 v3, v37;
	_ =	sdelay $0x1  }
0x1e0: {  	s18 =	simm.s32 $0x9800  }
0x1e1: {  	[tilespmem:s18], [sflag:$0x1] =	stream.indirect_vreg.gather [hbm4b:s2+s3], $0x80, v38, vm0, $0xb8;
	[tilespmem:$0x13B80] =	vst v63  }
0x1e2: {  	s20 =	simm.s32 $0xA000  }
0x1e3: {  	[tilespmem:s20], [sflag:$0x1] =	stream.indirect_vreg.gather [hbm4b:s2+s3], $0x80, v37, vm0, $0xb8;
	[tilespmem:$0x13B80] =	vst v63  }
0x1e4: {  	v37 =	vld.idx.msk [tilespmem:v36+s0+$0x140 ss:$0x1], $0xffff;
	_ =	sdelay $0x4  }
0x1e5: {  	v63 =	vshll.u32 v37, $0x1  }
0x1e6: {  	v37 =	vand.u32 $0x7, v37;
	v38 =	vand.u32 $0xFFFFFFF0, v63  }
0x1e7: {  	v37 =	vor.u32 v37, v38  }
0x1e8: {  	v38 =	vperm.xlane v37, v1;
	_ =	sdelay $0x1  }
0x1e9: {  	v37 =	vperm.xlane v37, v4;
	v38 =	vadd.s32 v3, v38;
	_ =	sdelay $0x1  }
0x1ea: {  	v37 =	vadd.s32 v3, v37;
	_ =	sdelay $0x1  }
0x1eb: {  	s22 =	simm.s32 $0xA800;
	s0 =	sadd.s32 s0, s26  }
0x1ec: {  	[tilespmem:s22], [sflag:$0x1] =	stream.indirect_vreg.gather [hbm4b:s2+s3], $0x80, v38, vm0, $0xb8;
	[tilespmem:$0x13B80] =	vst v63  }
0x1ed: {  	s24 =	simm.s32 $0xB000;
	s0 =	sadd.s32 $0x150, s0  }
0x1ee: {  	[tilespmem:s24], [sflag:$0x1] =	stream.indirect_vreg.gather [hbm4b:s2+s3], $0x80, v37, vm0, $0xb8;
	[tilespmem:$0x13B80] =	vst v63  }
.LBB2_11:
0x1ef: {  	v37 =	vld [tilespmem:s0+$0x0];
	_ =	sdelay $0x4  }
0x1f0: {  	v38 =	vshll.u32 v37, $0x1  }
0x1f1: {  	v37 =	vand.u32 $0x7, v37;
	v38 =	vand.u32 $0xFFFFFFF0, v38  }
0x1f2: {  	v37 =	vor.u32 v37, v38  }
0x1f3: {  	v38 =	vperm.xlane v37, v1;
	_ =	sdelay $0x1  }
0x1f4: {  	v37 =	vperm.xlane v37, v4;
	v38 =	vadd.s32 v3, v38;
	_ =	sdelay $0x1  }
0x1f5: {  	v37 =	vadd.s32 v3, v37;
	_ =	sdelay $0x1  }
0x1f6: {  	s22 =	simm.s32 $0xB800  }
0x1f7: {  	[tilespmem:s22], [sflag:$0x1] =	stream.indirect_vreg.gather [hbm4b:s2+s3], $0x80, v38, vm0, $0xb8;
	[tilespmem:$0x13B80] =	vst v63  }
0x1f8: {  	s24 =	simm.s32 $0xC000  }
0x1f9: {  	[tilespmem:s24], [sflag:$0x1] =	stream.indirect_vreg.gather [hbm4b:s2+s3], $0x80, v37, vm0, $0xb8;
	[tilespmem:$0x13B80] =	vst v63  }
.LBB2_12:
0x1fa: {  	_ =	swait.ge [sflag:s9], $0x6000  }
0x1fb: {  	s1 =	smul.u32 $0x60, s31;
	[sflag:s9] =	ssyncset.done $0x0  }
0x1fc: {  	s0 =	simm.s32 $0x0;
	s10 =	simm.s32 $0x0;
	[sflag:s9] =	ssyncadd.s32 $0xFFFFA000  }
.LBB2_13:
0x1fd: {  	s4 =	sand.u32 $0x7800, s0;
	s5 =	simm.s32 $0x0  }
0x1fe: {  	s5 =	sand.u32 $0x200, s5;
	s4 =	sadd.s32 $0xC800, s4  }
0x1ff: {  	s5 =	sor.u32 s5, s4  }
0x200: {  	v37 =	vld [tilespmem:s5+$0x0]  }
0x201: {  	v38 =	vld [tilespmem:s5+$0x10]  }
0x202: {  	v39 =	vld [tilespmem:s5+$0x20]  }
0x203: {  	p2 =	por $0x0, $0x0;
	s8 =	simm.s32 $0x1;
	v40 =	vld [tilespmem:s5+$0x30]  }
0x204: {  	s8 =	simm.s32 @!p2 $0x0;
	v41 =	vld [tilespmem:s5+$0x40]  }
0x205: {  	s8 =	sshll.u32 s8, $0x9;
	v42 =	vld [tilespmem:s5+$0x50]  }
0x206: {  	s8 =	sadd.s32 s8, s0;
	v43 =	vld [tilespmem:s5+$0x60]  }
0x207: {  	v44 =	vld [tilespmem:s5+$0x70];
	s16 =	sor.u32 $0x400, s8  }
0x208: {  	s18 =	sor.u32 $0x410, s8;
	v45 =	vld [tilespmem:s16+$0xC800]  }
0x209: {  	s20 =	sor.u32 $0x420, s8;
	v46 =	vld [tilespmem:s18+$0xC800]  }
0x20a: {  	s22 =	sor.u32 $0x430, s8;
	v47 =	vld [tilespmem:s20+$0xC800]  }
0x20b: {  	s24 =	sor.u32 $0x440, s8;
	v48 =	vld [tilespmem:s22+$0xC800]  }
0x20c: {  	s31 =	sor.u32 $0x450, s8;
	v49 =	vld [tilespmem:s24+$0xC800]  }
0x20d: {  	s11 =	simm.s32 $0x80;
	s12 =	sor.u32 $0x460, s8;
	v50 =	vld [tilespmem:s31+$0xC800]  }
0x20e: {  	s11 =	sand.u32 $0x280, s11;
	s14 =	sor.u32 $0x470, s8;
	v51 =	vld [tilespmem:s12+$0xC800]  }
0x20f: {  	s16 =	sor.u32 s11, s4;
	v52 =	vld [tilespmem:s14+$0xC800]  }
0x210: {  	v53 =	vld [tilespmem:s16+$0x0]  }
0x211: {  	v54 =	vld [tilespmem:s16+$0x10]  }
0x212: {  	v55 =	vld [tilespmem:s16+$0x20]  }
0x213: {  	v56 =	vld [tilespmem:s16+$0x30]  }
0x214: {  	v57 =	vld [tilespmem:s16+$0x40]  }
0x215: {  	v58 =	vld [tilespmem:s16+$0x50]  }
0x216: {  	v59 =	vld [tilespmem:s16+$0x60]  }
0x217: {  	v60 =	vld [tilespmem:s16+$0x70];
	v37 =	vmul.f32 v37, v20;
	v38 =	vmul.f32 v38, v21  }
0x218: {  	v61 =	vld [tilespmem:s16+$0x400];
	v39 =	vmul.f32 v39, v22;
	v40 =	vmul.f32 v40, v23  }
0x219: {  	v41 =	vmul.f32 v41, v24;
	v42 =	vmul.f32 v42, v25;
	v37 =	vadd.f32 v38, v37;
	v38 =	vld [tilespmem:s16+$0x410]  }
0x21a: {  	v43 =	vmul.f32 v43, v26;
	v44 =	vmul.f32 v44, v27;
	v39 =	vadd.f32 v40, v39;
	v40 =	vld [tilespmem:s16+$0x420]  }
0x21b: {  	v45 =	vmul.f32 v45, v28;
	v46 =	vmul.f32 v46, v29;
	v41 =	vadd.f32 v42, v41;
	v42 =	vld [tilespmem:s16+$0x430]  }
0x21c: {  	v49 =	vmul.f32 v49, v32;
	v50 =	vmul.f32 v50, v33;
	v43 =	vadd.f32 v44, v43;
	v44 =	vld [tilespmem:s16+$0x440]  }
0x21d: {  	s18 =	simm.s32 $0x100;
	v45 =	vadd.f32 v46, v45;
	v46 =	vld [tilespmem:s16+$0x450]  }
0x21e: {  	s5 =	sand.u32 $0x300, s18;
	v47 =	vmul.f32 v47, v30;
	v48 =	vmul.f32 v48, v31;
	v63 =	vadd.f32 v50, v49;
	v49 =	vld [tilespmem:s16+$0x460]  }
0x21f: {  	s12 =	sor.u32 s5, s4;
	v51 =	vmul.f32 v51, v34;
	v52 =	vmul.f32 v52, v35;
	v37 =	vadd.f32 v39, v37;
	v39 =	vld [tilespmem:s16+$0x470]  }
0x220: {  	s20 =	simm.s32 $0x180;
	v41 =	vadd.f32 v43, v41;
	v43 =	vld [tilespmem:s12+$0x0]  }
0x221: {  	s5 =	sand.u32 $0x380, s20;
	v47 =	vadd.f32 v48, v47;
	v62 =	vadd.f32 v52, v51;
	v51 =	vmul.f32 v53, v20;
	v48 =	vld [tilespmem:s12+$0x10]  }
0x222: {  	s14 =	sor.u32 s5, s4;
	v52 =	vmul.f32 v54, v21;
	v50 =	vmul.f32 v55, v22;
	v53 =	vld [tilespmem:s12+$0x40]  }
0x223: {  	v54 =	vmul.f32 v58, v25;
	v55 =	vld [tilespmem:s14+$0x30];
	v45 =	vadd.f32 v47, v45;
	v63 =	vadd.f32 v62, v63  }
0x224: {  	v62 =	vmul.f32 v56, v23;
	v51 =	vadd.f32 v52, v51;
	v52 =	vld [tilespmem:s12+$0x20];
	v47 =	vmul.f32 v57, v24  }
0x225: {  	v56 =	vld [tilespmem:s12+$0x50];
	v38 =	vmul.f32 v38, v29;
	v40 =	vmul.f32 v40, v30  }
0x226: {  	v37 =	vadd.f32 v41, v37;
	v57 =	vld [tilespmem:s12+$0x60];
	v42 =	vmul.f32 v42, v31;
	v44 =	vmul.f32 v44, v32  }
0x227: {  	v63 =	vadd.f32 v63, v45;
	v45 =	vld [tilespmem:s12+$0x30];
	v50 =	vadd.f32 v62, v50;
	v62 =	vmul.f32 v59, v26  }
0x228: {  	v47 =	vadd.f32 v54, v47;
	v54 =	vld [tilespmem:s12+$0x400];
	v46 =	vmul.f32 v46, v33;
	v39 =	vmul.f32 v39, v35  }
0x229: {  	v43 =	vmul.f32 v43, v20;
	v58 =	vmul.f32 v53, v24;
	v53 =	vld [tilespmem:s14+$0x50]  }
0x22a: {  	v37 =	vadd.f32 v63, v37;
	v63 =	vmul.f32 v60, v27;
	v50 =	vadd.f32 v50, v51;
	v51 =	vld [tilespmem:s12+$0x70]  }
0x22b: {  	v40 =	vadd.f32 v42, v40;
	v60 =	vmul.f32 v61, v28;
	v61 =	vmul.f32 v49, v34;
	v49 =	vld [tilespmem:s12+$0x420]  }
0x22c: {  	v44 =	vadd.f32 v46, v44;
	v46 =	vld [tilespmem:s12+$0x430];
	v59 =	vmul.f32 v56, v25;
	v41 =	vadd.f32 v63, v62  }
0x22d: {  	s22 =	simm.s32 $0x0;
	v38 =	vadd.f32 v38, v60;
	v39 =	vadd.f32 v39, v61;
	v62 =	vmul.f32 v48, v21;
	v48 =	vld [tilespmem:s12+$0x440]  }
0x22e: {  	v63 =	vmul.f32 v52, v22;
	v60 =	vld [tilespmem:s12+$0x460];
	v61 =	vadd.s32 s22, v0;
	v41 =	vadd.f32 v41, v47  }
0x22f: {  	v45 =	vmul.f32 v45, v23;
	v47 =	vld [tilespmem:s12+$0x410];
	v38 =	vadd.f32 v40, v38;
	v39 =	vadd.f32 v39, v44  }
0x230: {  	v42 =	vadd.f32 v62, v43;
	v62 =	vld [tilespmem:s12+$0x470];
	v44 =	vadd.f32 v59, v58;
	v58 =	vmul.f32 v57, v26  }
0x231: {  	v59 =	vmul.f32 v54, v28;
	v53 =	vmul.f32 v53, v25;
	v41 =	vadd.f32 v41, v50;
	v50 =	vld [tilespmem:s12+$0x450]  }
0x232: {  	s24 =	simm.s32 $0x11;
	v40 =	vadd.f32 v45, v63;
	v63 =	vld [tilespmem:s14+$0x0];
	v51 =	vmul.f32 v51, v27;
	v49 =	vmul.f32 v49, v30  }
0x233: {  	v54 =	vld [tilespmem:s14+$0x20];
	v38 =	vadd.f32 v39, v38;
	v39 =	vadd.s32 s24, v0;
	v46 =	vmul.f32 v46, v31  }
0x234: {  	s16 =	simm.s32 $0x33;
	v40 =	vadd.f32 v40, v42;
	v42 =	vld [tilespmem:s14+$0x10];
	v51 =	vadd.f32 v51, v58;
	v48 =	vmul.f32 v48, v32  }
0x235: {  	v60 =	vmul.f32 v60, v34;
	[tilespmem:v61+s6+$0x0] =	vst.idx.msk $0xffff, v37;
	v37 =	vadd.s32 s16, v0;
	v47 =	vmul.f32 v47, v29  }
0x236: {  	v56 =	vld [tilespmem:s14+$0x40];
	v41 =	vadd.f32 v38, v41;
	v45 =	vmul.f32 v62, v35;
	v50 =	vmul.f32 v50, v33  }
0x237: {  	v58 =	vld [tilespmem:s14+$0x70];
	v61 =	vadd.f32 v46, v49;
	v63 =	vmul.f32 v63, v20;
	v47 =	vadd.f32 v47, v59  }
0x238: {  	v45 =	vadd.f32 v45, v60;
	v59 =	vmul.f32 v54, v22;
	v62 =	vadd.f32 v50, v48;
	v48 =	vld [tilespmem:s14+$0x60]  }
0x239: {  	s31 =	simm.s32 $0x22;
	v44 =	vadd.f32 v51, v44;
	v60 =	vmul.f32 v55, v23;
	v57 =	vmul.f32 v42, v21;
	v42 =	vld [tilespmem:s14+$0x400]  }
0x23a: {  	v38 =	vadd.s32 s31, v0;
	v46 =	vld [tilespmem:s14+$0x410];
	[tilespmem:v39+s6+$0x0] =	vst.idx.msk $0xffff, v41;
	v47 =	vadd.f32 v61, v47;
	v61 =	vadd.f32 v45, v62  }
0x23b: {  	v43 =	vld [tilespmem:s14+$0x420];
	v51 =	vadd.f32 v60, v59;
	v62 =	vadd.f32 v57, v63;
	v63 =	vmul.f32 v56, v24  }
0x23c: {  	s18 =	simm.s32 $0x380;
	v39 =	vadd.f32 v44, v40;
	v49 =	vmul.f32 v58, v27;
	v44 =	vadd.f32 v61, v47;
	v47 =	vld [tilespmem:s14+$0x430]  }
0x23d: {  	s20 =	sadd.s32 $0x400, s0;
	s4 =	simm.s32 $0x0;
	s12 =	sshll.u32 s10, $0x4;
	v45 =	vld [tilespmem:s14+$0x440];
	v41 =	vadd.f32 v53, v63;
	v40 =	vadd.f32 v51, v62;
	v48 =	vmul.f32 v48, v26  }
.LBB2_14:
0x23e: {  	s5 =	sand.u32 $0x7800, s20;
	s8 =	sadd.s32 $0xFFFFFE80, s18;
	s11 =	sadd.s32 $0xFFFFFF00, s18;
	v39 =	vadd.f32 v44, v39;
	v42 =	vmul.f32 v42, v28;
	v44 =	vld [tilespmem:s14+$0x450]  }
0x23f: {  	s22 =	sadd.s32 $0xFFFFFF80, s18;
	s8 =	sand.u32 $0x200, s8;
	s5 =	sadd.s32 $0xC800, s5;
	v46 =	vmul.f32 v46, v29;
	v50 =	vld [tilespmem:s14+$0x460];
	v48 =	vadd.f32 v49, v48  }
0x240: {  	s11 =	sand.u32 $0x280, s11;
	s22 =	sand.u32 $0x300, s22;
	s8 =	sor.u32 s8, s5;
	[tilespmem:v38+s6+$0x0] =	vst.idx.msk $0xffff, v39;
	v38 =	vmul.f32 v43, v30;
	v39 =	vld [tilespmem:s14+$0x470]  }
0x241: {  	s24 =	sor.u32 s11, s5;
	s22 =	sor.u32 s22, s5;
	s11 =	sand.u32 $0x380, s18;
	v43 =	vld [tilespmem:s8+$0x0];
	v47 =	vmul.f32 v47, v31;
	v42 =	vadd.f32 v46, v42;
	v41 =	vadd.f32 v48, v41  }
0x242: {  	s14 =	sor.u32 s11, s5;
	v46 =	vld [tilespmem:s8+$0x10];
	v45 =	vmul.f32 v45, v32  }
0x243: {  	v48 =	vld [tilespmem:s8+$0x20];
	v44 =	vmul.f32 v44, v33;
	v38 =	vadd.f32 v47, v38;
	v40 =	vadd.f32 v41, v40  }
0x244: {  	p2 =	por !p2, !p2;
	s5 =	simm.s32 $0x1;
	v41 =	vld [tilespmem:s8+$0x30];
	v47 =	vmul.f32 v50, v34  }
0x245: {  	s5 =	simm.s32 @!p2 $0x0;
	v49 =	vld [tilespmem:s8+$0x40];
	v39 =	vmul.f32 v39, v35;
	v44 =	vadd.f32 v44, v45;
	v38 =	vadd.f32 v38, v42  }
0x246: {  	s5 =	sshll.u32 s5, $0x9;
	v42 =	vld [tilespmem:s8+$0x50]  }
0x247: {  	s5 =	sadd.s32 s5, s20;
	v45 =	vld [tilespmem:s8+$0x60];
	v39 =	vadd.f32 v39, v47  }
0x248: {  	v47 =	vld [tilespmem:s8+$0x70];
	s8 =	sor.u32 $0x400, s5  }
0x249: {  	v50 =	vld [tilespmem:s8+$0xC800];
	s8 =	sor.u32 $0x410, s5;
	v39 =	vadd.f32 v39, v44  }
0x24a: {  	v44 =	vld [tilespmem:s8+$0xC800];
	s8 =	sor.u32 $0x420, s5  }
0x24b: {  	v51 =	vld [tilespmem:s8+$0xC800];
	s8 =	sor.u32 $0x430, s5;
	v38 =	vadd.f32 v39, v38  }
0x24c: {  	s4 =	sadd.s32 $0x4, s4;
	v39 =	vld [tilespmem:s8+$0xC800];
	s8 =	sor.u32 $0x440, s5  }
0x24d: {  	p3 =	slt.u32 s4, $0xC;
	v43 =	vmul.f32 v43, v20;
	v46 =	vmul.f32 v46, v21;
	v52 =	vld [tilespmem:s8+$0xC800];
	s8 =	sor.u32 $0x450, s5;
	v38 =	vadd.f32 v38, v40  }
0x24e: {  	v41 =	vmul.f32 v41, v23;
	v40 =	vmul.f32 v48, v22;
	v48 =	vld [tilespmem:s8+$0xC800];
	s8 =	sor.u32 $0x460, s5  }
0x24f: {  	v49 =	vmul.f32 v49, v24;
	v42 =	vmul.f32 v42, v25;
	s5 =	sor.u32 $0x470, s5;
	v53 =	vld [tilespmem:s8+$0xC800];
	[tilespmem:v37+s6+$0x0] =	vst.idx.msk $0xffff, v38  }
0x250: {  	v37 =	vmul.f32 v45, v26;
	v38 =	vmul.f32 v47, v27;
	v45 =	vld [tilespmem:s5+$0xC800]  }
0x251: {  	v47 =	vmul.f32 v50, v28;
	v44 =	vmul.f32 v44, v29;
	v50 =	vld [tilespmem:s24+$0x0]  }
0x252: {  	v51 =	vmul.f32 v51, v30;
	v39 =	vmul.f32 v39, v31;
	v54 =	vld [tilespmem:s24+$0x10]  }
0x253: {  	v52 =	vmul.f32 v52, v32;
	v48 =	vmul.f32 v48, v33;
	v55 =	vld [tilespmem:s24+$0x20]  }
0x254: {  	v43 =	vadd.f32 v46, v43;
	v40 =	vadd.f32 v41, v40;
	v53 =	vmul.f32 v53, v34;
	v41 =	vld [tilespmem:s24+$0x30]  }
0x255: {  	v42 =	vadd.f32 v42, v49;
	v37 =	vadd.f32 v38, v37;
	v45 =	vmul.f32 v45, v35;
	v38 =	vld [tilespmem:s24+$0x40]  }
0x256: {  	v44 =	vadd.f32 v44, v47;
	v39 =	vadd.f32 v39, v51;
	v46 =	vmul.f32 v50, v20;
	v47 =	vld [tilespmem:s24+$0x50]  }
0x257: {  	v48 =	vadd.f32 v48, v52;
	v45 =	vadd.f32 v45, v53;
	v49 =	vmul.f32 v54, v21;
	v50 =	vld [tilespmem:s24+$0x60]  }
0x258: {  	s16 =	sadd.s32 $0x44, s16;
	v40 =	vadd.f32 v40, v43;
	v37 =	vadd.f32 v37, v42;
	v42 =	vmul.f32 v55, v22;
	v43 =	vld [tilespmem:s24+$0x70]  }
0x259: {  	s11 =	sadd.s32 $0xFFFFFFEF, s16;
	s8 =	sadd.s32 $0xFFFFFFDE, s16;
	s5 =	sadd.s32 $0xFFFFFFCD, s16;
	v39 =	vadd.f32 v39, v44;
	v44 =	vadd.f32 v45, v48;
	v41 =	vmul.f32 v41, v23;
	v45 =	vld [tilespmem:s24+$0x400]  }
0x25a: {  	v48 =	vadd.s32 s5, v0;
	v46 =	vadd.f32 v49, v46;
	v38 =	vmul.f32 v38, v24;
	v51 =	vld [tilespmem:s24+$0x410]  }
0x25b: {  	v37 =	vadd.f32 v37, v40;
	v39 =	vadd.f32 v44, v39;
	v40 =	vmul.f32 v47, v25;
	v44 =	vld [tilespmem:s24+$0x420]  }
0x25c: {  	v41 =	vadd.f32 v41, v42;
	v42 =	vadd.s32 s8, v0;
	v47 =	vmul.f32 v50, v26;
	v49 =	vld [tilespmem:s24+$0x430]  }
0x25d: {  	v37 =	vadd.f32 v39, v37;
	v39 =	vmul.f32 v43, v27;
	v43 =	vld [tilespmem:s24+$0x440];
	v40 =	vadd.f32 v40, v38  }
0x25e: {  	v41 =	vadd.f32 v41, v46;
	v38 =	vadd.s32 s11, v0;
	v45 =	vmul.f32 v45, v28;
	v50 =	vld [tilespmem:s24+$0x450]  }
0x25f: {  	[tilespmem:v48+s6+$0x0] =	vst.idx.msk $0xffff, v37;
	v46 =	vmul.f32 v51, v29;
	v48 =	vld [tilespmem:s24+$0x460];
	v39 =	vadd.f32 v39, v47;
	v37 =	vadd.s32 s16, v0  }
0x260: {  	v44 =	vmul.f32 v44, v30;
	v47 =	vld [tilespmem:s24+$0x470]  }
0x261: {  	v49 =	vmul.f32 v49, v31;
	v45 =	vadd.f32 v46, v45;
	v39 =	vadd.f32 v39, v40;
	v40 =	vld [tilespmem:s22+$0x0]  }
0x262: {  	v43 =	vmul.f32 v43, v32;
	v46 =	vld [tilespmem:s22+$0x10]  }
0x263: {  	v50 =	vmul.f32 v50, v33;
	v44 =	vadd.f32 v49, v44;
	v39 =	vadd.f32 v39, v41;
	v41 =	vld [tilespmem:s22+$0x20]  }
0x264: {  	v48 =	vmul.f32 v48, v34;
	v49 =	vld [tilespmem:s22+$0x30]  }
0x265: {  	v47 =	vmul.f32 v47, v35;
	v43 =	vadd.f32 v50, v43;
	v44 =	vadd.f32 v44, v45;
	v45 =	vld [tilespmem:s22+$0x40]  }
0x266: {  	v40 =	vmul.f32 v40, v20;
	v50 =	vld [tilespmem:s22+$0x50]  }
0x267: {  	v47 =	vadd.f32 v47, v48;
	v46 =	vmul.f32 v46, v21;
	v48 =	vld [tilespmem:s22+$0x60]  }
0x268: {  	v41 =	vmul.f32 v41, v22;
	v51 =	vld [tilespmem:s22+$0x70]  }
0x269: {  	v43 =	vadd.f32 v47, v43;
	v47 =	vmul.f32 v49, v23;
	v49 =	vld [tilespmem:s22+$0x400];
	v40 =	vadd.f32 v46, v40  }
0x26a: {  	v45 =	vmul.f32 v45, v24;
	v46 =	vld [tilespmem:s22+$0x410]  }
0x26b: {  	v43 =	vadd.f32 v43, v44;
	v44 =	vmul.f32 v50, v25;
	v50 =	vld [tilespmem:s22+$0x420];
	v41 =	vadd.f32 v47, v41  }
0x26c: {  	v47 =	vmul.f32 v48, v26;
	v48 =	vld [tilespmem:s22+$0x430]  }
0x26d: {  	v51 =	vmul.f32 v51, v27;
	v52 =	vld [tilespmem:s22+$0x440];
	v44 =	vadd.f32 v44, v45;
	v40 =	vadd.f32 v41, v40  }
0x26e: {  	v39 =	vadd.f32 v43, v39;
	v41 =	vmul.f32 v49, v28;
	v43 =	vld [tilespmem:s22+$0x450]  }
0x26f: {  	v45 =	vmul.f32 v46, v29;
	v46 =	vld [tilespmem:s22+$0x460];
	v47 =	vadd.f32 v51, v47  }
0x270: {  	[tilespmem:v42+s6+$0x0] =	vst.idx.msk $0xffff, v39;
	v39 =	vmul.f32 v50, v30;
	v42 =	vld [tilespmem:s22+$0x470]  }
0x271: {  	v48 =	vmul.f32 v48, v31;
	v41 =	vadd.f32 v45, v41;
	v44 =	vadd.f32 v47, v44;
	v45 =	vld [tilespmem:s14+$0x0]  }
0x272: {  	v47 =	vmul.f32 v52, v32;
	v49 =	vld [tilespmem:s14+$0x10]  }
0x273: {  	v43 =	vmul.f32 v43, v33;
	v48 =	vadd.f32 v48, v39;
	v39 =	vadd.f32 v44, v40;
	v40 =	vld [tilespmem:s14+$0x20]  }
0x274: {  	v44 =	vmul.f32 v46, v34;
	v46 =	vld [tilespmem:s14+$0x30]  }
0x275: {  	v42 =	vmul.f32 v42, v35;
	v43 =	vadd.f32 v43, v47;
	v41 =	vadd.f32 v48, v41;
	v47 =	vld [tilespmem:s14+$0x40]  }
0x276: {  	v45 =	vmul.f32 v45, v20;
	v48 =	vld [tilespmem:s14+$0x50]  }
0x277: {  	v42 =	vadd.f32 v42, v44;
	v44 =	vmul.f32 v49, v21;
	v49 =	vld [tilespmem:s14+$0x60]  }
0x278: {  	v40 =	vmul.f32 v40, v22;
	v50 =	vld [tilespmem:s14+$0x70]  }
.Ltmp5:
0x279: {  	v43 =	vadd.f32 v42, v43;
	v51 =	vmul.f32 v46, v23;
	v42 =	vld [tilespmem:s14+$0x400];
	v52 =	vadd.f32 v44, v45;
	(pc) =	sbr.rel @p3 .LBB2_14-.Ltmp5, $4  }
0x27a: {  	v53 =	vmul.f32 v47, v24;
	v46 =	vld [tilespmem:s14+$0x410]  }
0x27b: {  	v44 =	vadd.f32 v43, v41;
	v41 =	vmul.f32 v48, v25;
	v43 =	vld [tilespmem:s14+$0x420];
	v40 =	vadd.f32 v51, v40  }
0x27c: {  	v48 =	vmul.f32 v49, v26;
	v47 =	vld [tilespmem:s14+$0x430]  }
0x27d: {  	s18 =	sadd.s32 $0x200, s18;
	s20 =	sadd.s32 $0x400, s20;
	v49 =	vmul.f32 v50, v27;
	v45 =	vld [tilespmem:s14+$0x440];
	v41 =	vadd.f32 v41, v53;
	v40 =	vadd.f32 v40, v52  }
0x27e: {  	v50 =	vld [tilespmem:s14+$0x450]  }
0x27f: {  	v51 =	vld [tilespmem:s14+$0x460]  }
0x280: {  	v52 =	vld [tilespmem:s14+$0x470];
	_ =	sdelay $0x1  }
0x281: {  	v42 =	vmul.f32 v42, v28;
	v46 =	vmul.f32 v46, v29  }
0x282: {  	v43 =	vmul.f32 v43, v30;
	v47 =	vmul.f32 v47, v31  }
0x283: {  	v45 =	vmul.f32 v45, v32;
	v50 =	vmul.f32 v50, v33  }
0x284: {  	v48 =	vadd.f32 v49, v48;
	v62 =	vmul.f32 v51, v34;
	v63 =	vmul.f32 v52, v35  }
0x285: {  	v42 =	vadd.f32 v46, v42;
	v43 =	vadd.f32 v47, v43  }
0x286: {  	v45 =	vadd.f32 v50, v45;
	v53 =	vadd.f32 v63, v62  }
0x287: {  	v41 =	vadd.f32 v48, v41  }
0x288: {  	v42 =	vadd.f32 v43, v42;
	v54 =	vadd.f32 v53, v45;
	_ =	sdelay $0x1  }
0x289: {  	v40 =	vadd.f32 v41, v40;
	v55 =	vadd.f32 v54, v42  }
0x28a: {  	v39 =	vadd.f32 v44, v39  }
0x28b: {  	v40 =	vadd.f32 v55, v40  }
0x28c: {  	[tilespmem:v38+s6+$0x0] =	vst.idx.msk $0xffff, v39  }
0x28d: {  	[tilespmem:v37+s6+$0x0] =	vst.idx.msk $0xffff, v40  }
0x28e: {  	v37 =	vld.idx.msk [tilespmem:v2+s6+$0x0], $0xffff  }
0x28f: {  	v38 =	vld.idx.msk [tilespmem:v5+s6+$0x0], $0xffff  }
0x290: {  	v39 =	vld.idx.msk [tilespmem:v6+s6+$0x0], $0xffff  }
0x291: {  	v40 =	vld.idx.msk [tilespmem:v7+s6+$0x0], $0xffff  }
0x292: {  	v41 =	vld.idx.msk [tilespmem:v8+s6+$0x0], $0xffff  }
0x293: {  	v42 =	vld.idx.msk [tilespmem:v9+s6+$0x0], $0xffff  }
0x294: {  	v43 =	vld.idx.msk [tilespmem:v10+s6+$0x0], $0xffff  }
0x295: {  	v44 =	vld.idx.msk [tilespmem:v11+s6+$0x0], $0xffff  }
0x296: {  	v56 =	vld.idx.msk [tilespmem:v12+s6+$0x0], $0xffff  }
0x297: {  	v57 =	vld.idx.msk [tilespmem:v13+s6+$0x0], $0xffff  }
0x298: {  	v58 =	vld.idx.msk [tilespmem:v14+s6+$0x0], $0xffff  }
0x299: {  	v59 =	vld.idx.msk [tilespmem:v15+s6+$0x0], $0xffff  }
0x29a: {  	v60 =	vld.idx.msk [tilespmem:v16+s6+$0x0], $0xffff  }
0x29b: {  	v61 =	vld.idx.msk [tilespmem:v17+s6+$0x0], $0xffff  }
0x29c: {  	v62 =	vld.idx.msk [tilespmem:v18+s6+$0x0], $0xffff  }
0x29d: {  	v63 =	vld.idx.msk [tilespmem:v19+s6+$0x0], $0xffff;
	_ =	sdelay $0x1  }
0x29e: {  	v37 =	vadd.f32 v38, v37;
	v53 =	vadd.f32 v40, v39  }
0x29f: {  	v54 =	vadd.f32 v42, v41;
	v55 =	vadd.f32 v44, v43  }
0x2a0: {  	v56 =	vadd.f32 v57, v56;
	v57 =	vadd.f32 v59, v58  }
0x2a1: {  	v58 =	vadd.f32 v61, v60;
	v59 =	vadd.f32 v63, v62  }
0x2a2: {  	v37 =	vadd.f32 v53, v37;
	v60 =	vadd.f32 v55, v54  }
0x2a3: {  	s10 =	sadd.s32 $0x1, s10;
	v61 =	vadd.f32 v57, v56;
	v62 =	vadd.f32 v59, v58  }
0x2a4: {  	s4 =	sadd.s32 s1, s12;
	p2 =	sne.s32 s10, $0x6  }
.Ltmp6:
0x2a5: {  	s5 =	sshll.u32 s4, $0x1;
	v37 =	vadd.f32 v60, v37;
	v63 =	vadd.f32 v62, v61;
	(pc) =	sbr.rel @p2 .LBB2_13-.Ltmp6, $4  }
0x2a6: {  	s5 =	sand.u32 $0x7FFFFF00, s5  }
0x2a7: {  	s4 =	sand.u32 $0x70, s4;
	s5 =	sadd.s32 s5, s28;
	v37 =	vadd.f32 v63, v37  }
0x2a8: {  	s4 =	sadd.s32 s4, s5  }
0x2a9: {  	s0 =	sadd.s32 $0x1000, s0;
	[tilespmem:s4+$0x0] =	vst v37  }
0x2aa: {  	s30 =	sadd.s32 $0x1, s30  }
0x2ab: {  	p2 =	sne.s32 s30, $0xB  }
.Ltmp7:
0x2ac: {  	_ = 	snop;
	(pc) =	sbr.rel @p2 .LBB2_3-.Ltmp7, $1  }
0x2ad: {  	_ =	sdelay $0x3  }
0x2ae: {  	s0 =	rddreg [dreg:$0x12]  }
0x2af: {  	s10 =	rddreg [dreg:$0x7];
	p1 =	sne.s32 s0, $0x0  }
0x2b0: {  	s0 =	sadd.s32 @!p1 s10, s7  }
0x2b1: {  	s8 =	rddreg [dreg:$0x4];
	s0 =	sshrl.u32 @!p1 s0, $0x3  }
0x2b2: {  	s1 =	simm.s32 @!p1 $0x0;
	s4 =	simm.s32 @!p1 $0x12A80;
	s0 =	sadd.s32 @!p1 s8, s0  }
0x2b3: {  	[hbm4b:s0+s1] =	stream.linear.scatter @!p1 [tilespmem:s4], [sflag:$0x3], $0x80, $0x38;
	[tilespmem:$0x13B80] =	vst v63  }
0x2b4: {  	s5 =	simm.s32 @!p1 $0x12B80;
	s4 =	sadd.s32 @!p1 $0x80, s0  }
0x2b5: {  	[hbm4b:s4+s1] =	stream.linear.scatter @!p1 [tilespmem:s5], [sflag:$0x3], $0x80, $0x38;
	[tilespmem:$0x13B80] =	vst v63  }
0x2b6: {  	s4 =	sadd.s32 @!p1 $0x100, s0;
	s5 =	simm.s32 @!p1 $0x12C80  }
0x2b7: {  	[hbm4b:s4+s1] =	stream.linear.scatter @!p1 [tilespmem:s5], [sflag:$0x3], $0x80, $0x38;
	[tilespmem:$0x13B80] =	vst v63  }
0x2b8: {  	s4 =	sadd.s32 @!p1 $0x180, s0;
	s5 =	simm.s32 @!p1 $0x12D80  }
0x2b9: {  	[hbm4b:s4+s1] =	stream.linear.scatter @!p1 [tilespmem:s5], [sflag:$0x3], $0x80, $0x38;
	[tilespmem:$0x13B80] =	vst v63  }
0x2ba: {  	s4 =	sadd.s32 @!p1 $0x200, s0;
	s5 =	simm.s32 @!p1 $0x12E80  }
0x2bb: {  	[hbm4b:s4+s1] =	stream.linear.scatter @!p1 [tilespmem:s5], [sflag:$0x3], $0x80, $0x38;
	[tilespmem:$0x13B80] =	vst v63  }
0x2bc: {  	s4 =	sadd.s32 @!p1 $0x280, s0;
	s5 =	simm.s32 @!p1 $0x12F80  }
0x2bd: {  	[hbm4b:s4+s1] =	stream.linear.scatter @!p1 [tilespmem:s5], [sflag:$0x3], $0x80, $0x38;
	[tilespmem:$0x13B80] =	vst v63  }
0x2be: {  	s4 =	sadd.s32 @!p1 $0x300, s0;
	s5 =	simm.s32 @!p1 $0x13080  }
0x2bf: {  	[hbm4b:s4+s1] =	stream.linear.scatter @!p1 [tilespmem:s5], [sflag:$0x3], $0x80, $0x38;
	[tilespmem:$0x13B80] =	vst v63  }
0x2c0: {  	s4 =	sadd.s32 @!p1 $0x380, s0;
	s5 =	simm.s32 @!p1 $0x13180  }
0x2c1: {  	[hbm4b:s4+s1] =	stream.linear.scatter @!p1 [tilespmem:s5], [sflag:$0x3], $0x80, $0x38;
	[tilespmem:$0x13B80] =	vst v63  }
0x2c2: {  	s4 =	sadd.s32 @!p1 $0x400, s0;
	s5 =	simm.s32 @!p1 $0x13280  }
0x2c3: {  	[hbm4b:s4+s1] =	stream.linear.scatter @!p1 [tilespmem:s5], [sflag:$0x3], $0x80, $0x38;
	[tilespmem:$0x13B80] =	vst v63  }
0x2c4: {  	s4 =	sadd.s32 @!p1 $0x480, s0;
	s5 =	simm.s32 @!p1 $0x13380  }
0x2c5: {  	[hbm4b:s4+s1] =	stream.linear.scatter @!p1 [tilespmem:s5], [sflag:$0x3], $0x80, $0x38;
	[tilespmem:$0x13B80] =	vst v63  }
0x2c6: {  	s4 =	sadd.s32 @!p1 $0x500, s0;
	s5 =	simm.s32 @!p1 $0x13480  }
0x2c7: {  	[hbm4b:s4+s1] =	stream.linear.scatter @!p1 [tilespmem:s5], [sflag:$0x3], $0x80, $0x38;
	[tilespmem:$0x13B80] =	vst v63  }
0x2c8: {  	s4 =	sadd.s32 @!p1 $0x580, s0;
	s5 =	simm.s32 @!p1 $0x13580  }
0x2c9: {  	[hbm4b:s4+s1] =	stream.linear.scatter @!p1 [tilespmem:s5], [sflag:$0x3], $0x80, $0x38;
	[tilespmem:$0x13B80] =	vst v63  }
0x2ca: {  	s4 =	sadd.s32 @!p1 $0x600, s0;
	s5 =	simm.s32 @!p1 $0x13680  }
0x2cb: {  	[hbm4b:s4+s1] =	stream.linear.scatter @!p1 [tilespmem:s5], [sflag:$0x3], $0x80, $0x38;
	[tilespmem:$0x13B80] =	vst v63  }
0x2cc: {  	s4 =	sadd.s32 @!p1 $0x680, s0;
	s5 =	simm.s32 @!p1 $0x13780  }
0x2cd: {  	[hbm4b:s4+s1] =	stream.linear.scatter @!p1 [tilespmem:s5], [sflag:$0x3], $0x80, $0x38;
	[tilespmem:$0x13B80] =	vst v63  }
0x2ce: {  	s4 =	sadd.s32 @!p1 $0x700, s0;
	s5 =	simm.s32 @!p1 $0x13880  }
0x2cf: {  	[hbm4b:s4+s1] =	stream.linear.scatter @!p1 [tilespmem:s5], [sflag:$0x3], $0x80, $0x38;
	[tilespmem:$0x13B80] =	vst v63  }
0x2d0: {  	s4 =	sadd.s32 @!p1 $0x780, s0;
	s5 =	simm.s32 @!p1 $0x13980  }
0x2d1: {  	[hbm4b:s4+s1] =	stream.linear.scatter @!p1 [tilespmem:s5], [sflag:$0x3], $0x80, $0x38;
	[tilespmem:$0x13B80] =	vst v63  }
0x2d2: {  	s0 =	sadd.s32 @!p1 $0x800, s0;
	s4 =	simm.s32 @!p1 $0x13A80  }
0x2d3: {  	[hbm4b:s0+s1] =	stream.linear.scatter @!p1 [tilespmem:s4], [sflag:$0x3], $0x80, $0x38;
	[tilespmem:$0x13B80] =	vst v63  }
0x2d4: {  	s0 =	sadd.s32 @p0 s10, s7  }
0x2d5: {  	s0 =	sshrl.u32 @p0 s0, $0x3  }
0x2d6: {  	s1 =	simm.s32 @p0 $0x0;
	s4 =	simm.s32 @p0 $0x12B00;
	s0 =	sadd.s32 @p0 s8, s0  }
0x2d7: {  	[hbm4b:s0+s1] =	stream.linear.scatter @p0 [tilespmem:s4], [sflag:$0x4], $0x80, $0x38;
	[tilespmem:$0x13B80] =	vst v63  }
0x2d8: {  	s5 =	simm.s32 @p0 $0x12C00;
	s4 =	sadd.s32 @p0 $0x80, s0  }
0x2d9: {  	[hbm4b:s4+s1] =	stream.linear.scatter @p0 [tilespmem:s5], [sflag:$0x4], $0x80, $0x38;
	[tilespmem:$0x13B80] =	vst v63  }
0x2da: {  	s4 =	sadd.s32 @p0 $0x100, s0;
	s5 =	simm.s32 @p0 $0x12D00  }
0x2db: {  	[hbm4b:s4+s1] =	stream.linear.scatter @p0 [tilespmem:s5], [sflag:$0x4], $0x80, $0x38;
	[tilespmem:$0x13B80] =	vst v63  }
0x2dc: {  	s4 =	sadd.s32 @p0 $0x180, s0;
	s5 =	simm.s32 @p0 $0x12E00  }
0x2dd: {  	[hbm4b:s4+s1] =	stream.linear.scatter @p0 [tilespmem:s5], [sflag:$0x4], $0x80, $0x38;
	[tilespmem:$0x13B80] =	vst v63  }
0x2de: {  	s4 =	sadd.s32 @p0 $0x200, s0;
	s5 =	simm.s32 @p0 $0x12F00  }
0x2df: {  	[hbm4b:s4+s1] =	stream.linear.scatter @p0 [tilespmem:s5], [sflag:$0x4], $0x80, $0x38;
	[tilespmem:$0x13B80] =	vst v63  }
0x2e0: {  	s4 =	sadd.s32 @p0 $0x280, s0;
	s5 =	simm.s32 @p0 $0x13000  }
0x2e1: {  	[hbm4b:s4+s1] =	stream.linear.scatter @p0 [tilespmem:s5], [sflag:$0x4], $0x80, $0x38;
	[tilespmem:$0x13B80] =	vst v63  }
0x2e2: {  	s4 =	sadd.s32 @p0 $0x300, s0;
	s5 =	simm.s32 @p0 $0x13100  }
0x2e3: {  	[hbm4b:s4+s1] =	stream.linear.scatter @p0 [tilespmem:s5], [sflag:$0x4], $0x80, $0x38;
	[tilespmem:$0x13B80] =	vst v63  }
0x2e4: {  	s4 =	sadd.s32 @p0 $0x380, s0;
	s5 =	simm.s32 @p0 $0x13200  }
0x2e5: {  	[hbm4b:s4+s1] =	stream.linear.scatter @p0 [tilespmem:s5], [sflag:$0x4], $0x80, $0x38;
	[tilespmem:$0x13B80] =	vst v63  }
0x2e6: {  	s4 =	sadd.s32 @p0 $0x400, s0;
	s5 =	simm.s32 @p0 $0x13300  }
0x2e7: {  	[hbm4b:s4+s1] =	stream.linear.scatter @p0 [tilespmem:s5], [sflag:$0x4], $0x80, $0x38;
	[tilespmem:$0x13B80] =	vst v63  }
0x2e8: {  	s4 =	sadd.s32 @p0 $0x480, s0;
	s5 =	simm.s32 @p0 $0x13400  }
0x2e9: {  	[hbm4b:s4+s1] =	stream.linear.scatter @p0 [tilespmem:s5], [sflag:$0x4], $0x80, $0x38;
	[tilespmem:$0x13B80] =	vst v63  }
0x2ea: {  	s4 =	sadd.s32 @p0 $0x500, s0;
	s5 =	simm.s32 @p0 $0x13500  }
0x2eb: {  	[hbm4b:s4+s1] =	stream.linear.scatter @p0 [tilespmem:s5], [sflag:$0x4], $0x80, $0x38;
	[tilespmem:$0x13B80] =	vst v63  }
0x2ec: {  	s4 =	sadd.s32 @p0 $0x580, s0;
	s5 =	simm.s32 @p0 $0x13600  }
0x2ed: {  	[hbm4b:s4+s1] =	stream.linear.scatter @p0 [tilespmem:s5], [sflag:$0x4], $0x80, $0x38;
	[tilespmem:$0x13B80] =	vst v63  }
0x2ee: {  	s4 =	sadd.s32 @p0 $0x600, s0;
	s5 =	simm.s32 @p0 $0x13700  }
0x2ef: {  	[hbm4b:s4+s1] =	stream.linear.scatter @p0 [tilespmem:s5], [sflag:$0x4], $0x80, $0x38;
	[tilespmem:$0x13B80] =	vst v63  }
0x2f0: {  	s4 =	sadd.s32 @p0 $0x680, s0;
	s5 =	simm.s32 @p0 $0x13800  }
0x2f1: {  	[hbm4b:s4+s1] =	stream.linear.scatter @p0 [tilespmem:s5], [sflag:$0x4], $0x80, $0x38;
	[tilespmem:$0x13B80] =	vst v63  }
0x2f2: {  	s4 =	sadd.s32 @p0 $0x700, s0;
	s5 =	simm.s32 @p0 $0x13900  }
0x2f3: {  	[hbm4b:s4+s1] =	stream.linear.scatter @p0 [tilespmem:s5], [sflag:$0x4], $0x80, $0x38;
	[tilespmem:$0x13B80] =	vst v63  }
0x2f4: {  	s4 =	sadd.s32 @p0 $0x780, s0;
	s5 =	simm.s32 @p0 $0x13A00  }
0x2f5: {  	[hbm4b:s4+s1] =	stream.linear.scatter @p0 [tilespmem:s5], [sflag:$0x4], $0x80, $0x38;
	[tilespmem:$0x13B80] =	vst v63  }
0x2f6: {  	s31 =	rddreg [dreg:$0x11];
	s0 =	sadd.s32 @p0 $0x800, s0;
	s4 =	simm.s32 @p0 $0x13B00  }
0x2f7: {  	[hbm4b:s0+s1] =	stream.linear.scatter @p0 [tilespmem:s4], [sflag:$0x4], $0x80, $0x38;
	[tilespmem:$0x13B80] =	vst v63  }
0x2f8: {  	s4 =	sadd.s32 $0x1, s31  }
0x2f9: {  	p0 =	sne.s32 s4, $0x8  }
.Ltmp8:
0x2fa: {  	_ = 	snop;
	(pc) =	sbr.rel @p0 .LBB2_2-.Ltmp8, $1  }
0x2fb: {  	_ =	sdelay $0x3  }
0x2fc: {  	s0 =	simm.s32 $0x3  }
0x2fd: {  	_ =	swait.ge [sflag:s0], $0x880  }
0x2fe: {  	[sflag:s0] =	ssyncset.done $0x0  }
0x2ff: {  	s1 =	simm.s32 $0x4;
	[sflag:s0] =	ssyncadd.s32 $0xFFFFF780  }
0x300: {  	_ =	swait.ge [sflag:s1], $0x880  }
0x301: {  	s4 =	rddreg [dreg:$0x10]  }
0x302: {  	s31 =	rddreg [dreg:$0x8];
	s4 =	sadd.s32 $0x1, s4  }
0x303: {  	p0 =	sne.s32 s4, s31  }
.Ltmp9:
0x304: {  	_ = 	snop;
	(pc) =	sbr.rel @p0 .LBB2_1-.Ltmp9, $3  }
0x305: {  	_ =	sdelay $0x1  }
0x306: {  	[sflag:s1] =	ssyncset.done $0x0  }
0x307: {  	[sflag:s1] =	ssyncadd.s32 $0xFFFFF780  }
0x308: {  	_ =	sfence.sel $0x180000  }
0x309: {  	[bflag:$0x0] =	sbarrier.arrive $0xFFFF  }
0x30a: {  	_ =	strace $0x90000047  }
0x30b: {  	s0 =	stileid.u32;
	[bflag:$0x2] =	sbarrier.arrive $0xFFFF  }
0x30c: {  	p0 =	sne.s32 s0, $0x0;
	s0 =	rddreg [dreg:$0x3]  }
0x30d: {  	s0 =	sadd.s32 @!p0 $0x100000, s0  }
0x30e: {  	[sflag:s0] =	ssyncadd.tile.s32 @!p0 $0x1;
	_ =	shalt  }
.Lfunc_end2:
_tile_overlayer_lowered:
.L_overlay_start_2:
0x30f: {  	(tag) =	ssettag $0x2  }
0x310: {  	s0 =	rddreg [dreg:$0x0];
	s2 =	stileid.u32  }
0x311: {  	s1 =	rddreg [dreg:$0x1];
	p0 =	sne.s32 s2, $0x0  }
0x312: {  	s3 =	rddreg [dreg:$0x2];
	[bflag:$0x3] =	sbarrier.arrive $0xFFFF;
	s2 =	simm.s32 @!p0 $0x1C05  }
0x313: {  	[timem:s3], [sflag:s2] =	dma.local @!p0 [hbm:s0], s1  }
0x314: {  	s0 =	simm.s32 @!p0 $0x5  }
0x315: {  	_ =	swait.ge @!p0 [sflag:s0], s1  }
0x316: {  	s1 =	ssub.s32 @!p0 $0x0, s1;
	[sflag:s0] =	ssyncset.done @!p0 $0x0  }
0x317: {  	[sflag:s0] =	ssyncadd.s32 @!p0 s1  }
0x318: {  	[bflag:$0x3] =	sbarrier.arrive $0xFFFF  }
0x319: {  	_ =	shalt  }

</sc_bundles>
